<compile_context>
chip_gen: v7x
topology: tpu7x:2x2x1
jax: 0.10.2.dev20260603
libtpu: 0.0.44.dev20260713+nightly
codegen_flags: <defaults>
</compile_context>

<pallas_src>
import functools

import jax
import jax.numpy as jnp
from jax.experimental import pallas as pl
from jax.experimental.pallas import tpu as pltpu
from jax.experimental.pallas import tpu_sc as plsc

PMASK_SLOPE = 5.0
SAMPLE_SLOPE = 12.0
SPARSITY = 0.25


def _body(example_ref, weight_ref, thresh_ref, out_ref):
    p = jax.nn.sigmoid(weight_ref[...] * PMASK_SLOPE)
    pbar = jnp.mean(p)
    pmask = jnp.where(
        pbar > SPARSITY,
        p * (SPARSITY / pbar),
        1.0 - (1.0 - p) * ((1.0 - SPARSITY) / (1.0 - pbar)),
    )
    mask = jax.nn.sigmoid((pmask - thresh_ref[0]) * SAMPLE_SLOPE)
    out_ref[...] = example_ref[...] * mask[None, :, :]


@functools.partial(jax.jit, static_argnames=("row_block",))
def _loupe_mul(example3, weight2, thresh3, row_block):
    B, H, W = example3.shape
    grid = (B, H // row_block)
    return pl.pallas_call(
        _body,
        grid=grid,
        in_specs=[
            pl.BlockSpec((1, row_block, W), lambda b, r: (b, r, 0)),
            pl.BlockSpec((1, W), lambda b, r: (0, 0)),
            pl.BlockSpec((1, 1, W), lambda b, r: (b, 0, 0)),
        ],
        out_specs=pl.BlockSpec((1, row_block, W), lambda b, r: (b, r, 0)),
        out_shape=jax.ShapeDtypeStruct((B, H, W), example3.dtype),
        compiler_params=pltpu.CompilerParams(
            dimension_semantics=("parallel", "parallel"),
        ),
    )(example3, weight2, thresh3)


NROWS = 16384
WCOLS = 4096
NWORKERS = 32
ROWS_PER_WORKER = NROWS // NWORKERS
CHUNK_ROWS = 4
NCHUNK = ROWS_PER_WORKER // CHUNK_ROWS
NBUF = 4


def _sc_body(ex_hbm, w_hbm, t_hbm, out_hbm, wv, tv, mv,
             buf0, buf1, buf2, buf3,
             gsem0, gsem1, gsem2, gsem3, ssem0, ssem1, ssem2, ssem3):
    from jax import lax

    bufs = (buf0, buf1, buf2, buf3)
    gsems = (gsem0, gsem1, gsem2, gsem3)
    ssems = (ssem0, ssem1, ssem2, ssem3)

    cid = lax.axis_index("c")
    sid = lax.axis_index("s")
    wid = sid * 2 + cid
    base = wid * ROWS_PER_WORKER
    batch = wid // (NWORKERS // 4)

    pltpu.sync_copy(w_hbm, wv)
    pltpu.sync_copy(t_hbm.at[pl.ds(batch * WCOLS, WCOLS)], tv)

    nvec = WCOLS // 16

    def _sig(x):
        return 1.0 / (1.0 + jnp.exp(-x))

    def acc_body(i, acc):
        return acc + _sig(wv[pl.ds(i * 16, 16)] * PMASK_SLOPE)

    acc = lax.fori_loop(0, nvec, acc_body, jnp.zeros((16,), jnp.float32))
    sbar = acc[0]
    for j in range(1, 16):
        sbar = sbar + acc[j]
    xbar = sbar * (1.0 / WCOLS)

    xbar_v = lax.broadcast(xbar, (16,))
    scale_hi_v = SPARSITY / xbar_v
    scale_lo_v = (1.0 - SPARSITY) / (1.0 - xbar_v)
    ind = jnp.where(xbar > SPARSITY, 1.0, 0.0)
    coef_a = scale_hi_v * ind + scale_lo_v * (1.0 - ind)
    coef_c = (1.0 - scale_lo_v) * (1.0 - ind)

    def mask_body(i, carry):
        p = _sig(wv[pl.ds(i * 16, 16)] * PMASK_SLOPE)
        pm = p * coef_a + coef_c
        mv[pl.ds(i * 16, 16)] = _sig((pm - tv[pl.ds(i * 16, 16)]) * SAMPLE_SLOPE)
        return carry

    lax.fori_loop(0, nvec, mask_body, 0)

    def gather_start(g, b):
        return pltpu.async_copy(
            ex_hbm.at[pl.ds(base + g * CHUNK_ROWS, CHUNK_ROWS)], bufs[b],
            gsems[b])

    def gather_wait(g, b):
        pltpu.make_async_copy(
            ex_hbm.at[pl.ds(base + g * CHUNK_ROWS, CHUNK_ROWS)], bufs[b],
            gsems[b]).wait()

    def scatter_start(g, b):
        return pltpu.async_copy(
            bufs[b], out_hbm.at[pl.ds(base + g * CHUNK_ROWS, CHUNK_ROWS)],
            ssems[b])

    def scatter_wait(g, b):
        pltpu.make_async_copy(
            bufs[b], out_hbm.at[pl.ds(base + g * CHUNK_ROWS, CHUNK_ROWS)],
            ssems[b]).wait()

    def compute(b):
        buf = bufs[b]

        def cbody(i, carry):
            m = mv[pl.ds(i * 16, 16)]
            for r in range(CHUNK_ROWS):
                buf[r, pl.ds(i * 16, 16)] = buf[r, pl.ds(i * 16, 16)] * m
            return carry

        lax.fori_loop(0, nvec, cbody, 0)

    gather_start(0, 0)

    def step(t, carry):
        for b in range(NBUF):
            g = t * NBUF + b
            gather_wait(g, b)
            scatter_start(g, b)
            nb = (b + 1) % NBUF

            @pl.when(g >= NBUF - 1)
            def _():
                scatter_wait(g - (NBUF - 1), nb)

            @pl.when(g + 1 < NCHUNK)
            def _():
                gather_start(g + 1, nb)
        return carry

    lax.fori_loop(0, NCHUNK // NBUF, step, 0)

    for b in range(1, NBUF):
        scatter_wait(NCHUNK - NBUF + b, b)


def _loupe_sc(example3, weight, thresh):
    B, H, W = example3.shape
    mesh = plsc.VectorSubcoreMesh(core_axis_name="c", subcore_axis_name="s")
    f = pl.kernel(
        _sc_body,
        out_type=jax.ShapeDtypeStruct((NROWS, WCOLS), jnp.float32),
        mesh=mesh,
        scratch_types=[
            pltpu.VMEM((WCOLS,), jnp.float32),
            pltpu.VMEM((WCOLS,), jnp.float32),
            pltpu.VMEM((WCOLS,), jnp.float32),
        ] + [pltpu.VMEM((CHUNK_ROWS, WCOLS), jnp.float32)] * NBUF
          + [pltpu.SemaphoreType.DMA] * (2 * NBUF),
    )
    return f(example3.reshape(NROWS, WCOLS), weight, thresh.reshape(-1))


def kernel(example, weight, thresh):
    B, C, H, W = example.shape
    out = _loupe_sc(example.reshape(B, H, W), weight, thresh)
    return out.reshape(B, C, H, W)

# --- scband reference (transcript-rebuilt; emitter-appended) ---
"""Pipeline reference for scband-loupemask-21311627723003 (READ-ONLY COPY).

The authoritative reference and input builder live on the scoring server;
editing this copy changes nothing except your own understanding.
"""

import jax, jax.numpy as jnp
import numpy as np

SPARSITY = 0.25
PMASK_SLOPE = 5.0
SAMPLE_SLOPE = 12.0
SHAPE = 4096
BATCH = 4


def rescale_prob(x, sparsity):
    xbar = jnp.mean(x)
    return jnp.where(
        xbar > sparsity,
        x * sparsity / xbar,
        1.0 - (1.0 - x) * (1.0 - sparsity) / (1.0 - xbar),
    )


def setup_inputs(seed: int = 0) -> dict:
    key = jax.random.key(seed)
    k1, k2, k3 = jax.random.split(key, 3)
    example = jax.random.normal(k1, (BATCH, 1, SHAPE, SHAPE), dtype=jnp.float32)
    eps = 0.01
    x = jax.random.uniform(k2, (SHAPE,), dtype=jnp.float32) * (1.0 - 2.0 * eps) + eps
    weight = -jnp.log(1.0 / x - 1.0) / PMASK_SLOPE  # LOUPE param init (inverse sigmoid)
    thresh = jax.random.uniform(k3, (BATCH, SHAPE), dtype=jnp.float32)
    return {"example": example, "weight": weight, "thresh": thresh}


def reference(example, weight, thresh):
    # training-mode forward of LOUPEMask
    pmask = rescale_prob(jax.nn.sigmoid(weight * PMASK_SLOPE), SPARSITY)
    scores = pmask[None, :] - thresh  # [B, SHAPE]
    k = int(SPARSITY * SHAPE + 0.5)
    # top-k + scatter to build hard (not_pruned) mask, mirrors torch topk/scatter
    _, ind = jax.lax.top_k(scores, k)
    rows = jnp.arange(scores.shape[0])[:, None]
    not_pruned = jnp.zeros_like(thresh).at[rows, ind].set(1.0)
    pruned = (not_pruned < 0.5)[0]  # buffer side-effect in torch; computed for fidelity
    del pruned
    mask = jax.nn.sigmoid(scores * SAMPLE_SLOPE)
    return example * mask[:, None, None, :]

if __name__ == "__main__":
    import jax
    _d = setup_inputs()
    print(jax.jit(kernel)(*tuple(_d.values())))

</pallas_src>

<mosaic_0001>
#map = affine_map<(d0, d1) -> (0, 0)>
#map1 = affine_map<(d0, d1) -> (0)>
module attributes {stable_mosaic.version = 14 : i64} {
  func.func @_sc_body(%arg0: i32, %arg1: i32, %arg2: memref<16384x4096xf32, #tpu.memory_space<hbm>>, %arg3: memref<4096xf32, #tpu.memory_space<hbm>>, %arg4: memref<16384xf32, #tpu.memory_space<hbm>>, %arg5: memref<16384x4096xf32, #tpu.memory_space<hbm>>, %arg6: memref<4096xf32, #tpu.memory_space<vmem>>, %arg7: memref<4096xf32, #tpu.memory_space<vmem>>, %arg8: memref<4096xf32, #tpu.memory_space<vmem>>, %arg9: memref<4x4096xf32, #tpu.memory_space<vmem>>, %arg10: memref<4x4096xf32, #tpu.memory_space<vmem>>, %arg11: memref<4x4096xf32, #tpu.memory_space<vmem>>, %arg12: memref<4x4096xf32, #tpu.memory_space<vmem>>, %arg13: memref<!tpu.dma_semaphore, #tpu.memory_space<semaphore_mem>>, %arg14: memref<!tpu.dma_semaphore, #tpu.memory_space<semaphore_mem>>, %arg15: memref<!tpu.dma_semaphore, #tpu.memory_space<semaphore_mem>>, %arg16: memref<!tpu.dma_semaphore, #tpu.memory_space<semaphore_mem>>, %arg17: memref<!tpu.dma_semaphore, #tpu.memory_space<semaphore_mem>>, %arg18: memref<!tpu.dma_semaphore, #tpu.memory_space<semaphore_mem>>, %arg19: memref<!tpu.dma_semaphore, #tpu.memory_space<semaphore_mem>>, %arg20: memref<!tpu.dma_semaphore, #tpu.memory_space<semaphore_mem>>) attributes {dimension_semantics = [#tpu.dimension_semantics<core_parallel>, #tpu.dimension_semantics<subcore_parallel>], iteration_bounds = array<i64: 2, 16>, scalar_prefetch = 0 : i64, scratch_operands = 15 : i64, tpu.core_type = #tpu.core_type<sc_vector_subcore>, window_params = [{transform_indices = #map}, {transform_indices = #map1}, {transform_indices = #map1}, {transform_indices = #map}]} {
    %mul3A = arith.constant 2 : i32
    %mul3A_0 = arith.muli %arg1, %mul3A : i32
    %add3A = arith.addi %mul3A_0, %arg0 : i32
    %mul3A_1 = arith.constant 512 : i32
    %mul3A_2 = arith.muli %add3A, %mul3A_1 : i32
    %jit3A = arith.constant 8 : i32
    %div3A = arith.divsi %add3A, %jit3A : i32
    %sign3A = arith.constant 0 : i32
    %sign3A_3 = arith.cmpi sgt, %add3A, %sign3A : i32
    %sign3A_4 = arith.extui %sign3A_3 : i1 to i32
    %sign3A_5 = arith.constant 0 : i32
    %sign3A_6 = arith.cmpi slt, %add3A, %sign3A_5 : i32
    %sign3A_7 = arith.extui %sign3A_6 : i1 to i32
    %sign3A_8 = arith.subi %sign3A_4, %sign3A_7 : i32
    %sign3A_9 = arith.constant 0 : i32
    %sign3A_10 = arith.cmpi sgt, %jit3A, %sign3A_9 : i32
    %sign3A_11 = arith.extui %sign3A_10 : i1 to i32
    %sign3A_12 = arith.constant 0 : i32
    %sign3A_13 = arith.cmpi slt, %jit3A, %sign3A_12 : i32
    %sign3A_14 = arith.extui %sign3A_13 : i1 to i32
    %sign3A_15 = arith.subi %sign3A_11, %sign3A_14 : i32
    %ne3A = arith.cmpi ne, %sign3A_8, %sign3A_15 : i32
    %rem3A = arith.remsi %add3A, %jit3A : i32
    %ne3A_16 = arith.constant 0 : i32
    %ne3A_17 = arith.cmpi ne, %rem3A, %ne3A_16 : i32
    %and3A = arith.andi %ne3A, %ne3A_17 : i1
    %sub3A = arith.constant 1 : i32
    %sub3A_18 = arith.subi %div3A, %sub3A : i32
    %select_n3A = arith.select %and3A, %sub3A_18, %div3A : i32
    "tpu.region"() ({
      %run_scoped3A = tpu.sem_alloc : memref<!tpu.dma_semaphore, #tpu.memory_space<semaphore_mem>>
      tpu.enqueue_dma source(%arg3 : memref<4096xf32, #tpu.memory_space<hbm>>) target(%arg6 : memref<4096xf32, #tpu.memory_space<vmem>>) target_semaphore(%run_scoped3A : memref<!tpu.dma_semaphore, #tpu.memory_space<semaphore_mem>>)
      tpu.wait_dma2 semaphore(%run_scoped3A : memref<!tpu.dma_semaphore, #tpu.memory_space<semaphore_mem>>) src(%arg3 : memref<4096xf32, #tpu.memory_space<hbm>>) dst(%arg6 : memref<4096xf32, #tpu.memory_space<vmem>>)
      tpu.yield
    }) : () -> ()
    %mul3A_19 = arith.constant 4096 : i32
    %mul3A_20 = arith.muli %select_n3A, %mul3A_19 : i32
    "tpu.region"() ({
      %run_scoped3A = tpu.sem_alloc : memref<!tpu.dma_semaphore, #tpu.memory_space<semaphore_mem>>
      %dma_start3A_136 = tpu.memref_slice %arg4[%mul3A_20] : memref<16384xf32, #tpu.memory_space<hbm>> -> memref<4096xf32, #tpu.memory_space<hbm>>
      %dma_start3A_137 = tpu.memref_slice %arg4[%mul3A_20] : memref<16384xf32, #tpu.memory_space<hbm>> -> memref<4096xf32, #tpu.memory_space<hbm>>
      tpu.enqueue_dma source(%dma_start3A_137 : memref<4096xf32, #tpu.memory_space<hbm>>) target(%arg7 : memref<4096xf32, #tpu.memory_space<vmem>>) target_semaphore(%run_scoped3A : memref<!tpu.dma_semaphore, #tpu.memory_space<semaphore_mem>>)
      %dma_wait3A_138 = tpu.memref_slice %arg4[%mul3A_20] : memref<16384xf32, #tpu.memory_space<hbm>> -> memref<4096xf32, #tpu.memory_space<hbm>>
      %dma_wait3A_139 = tpu.memref_slice %arg4[%mul3A_20] : memref<16384xf32, #tpu.memory_space<hbm>> -> memref<4096xf32, #tpu.memory_space<hbm>>
      tpu.wait_dma2 semaphore(%run_scoped3A : memref<!tpu.dma_semaphore, #tpu.memory_space<semaphore_mem>>) src(%dma_wait3A_139 : memref<4096xf32, #tpu.memory_space<hbm>>) dst(%arg7 : memref<4096xf32, #tpu.memory_space<vmem>>)
      tpu.yield
    }) : () -> ()
    %broadcast_in_dim3A = arith.constant 0.000000e+00 : f32
    %broadcast_in_dim3A_21 = vector.broadcast %broadcast_in_dim3A : f32 to vector<16xf32>
    %scan3A = arith.constant 0 : i32
    %scan3A_22 = arith.constant 256 : i32
    %scan3A_23 = arith.addi %scan3A, %scan3A_22 : i32
    %scan3A_24 = arith.constant 1 : i32
    %scan3A_25 = scf.for %scan3A_136 = %scan3A to %scan3A_23 step %scan3A_24 iter_args(%scan3A_137 = %broadcast_in_dim3A_21) -> (vector<16xf32>)  : i32 {
      %mul3A_138 = arith.constant 16 : i32
      %mul3A_139 = arith.muli %scan3A_136, %mul3A_138 : i32
      %get3A = arith.index_cast %mul3A_139 : i32 to index
      %get3A_140 = tpu.vector_load %arg6[%get3A] {strides = array<i32>} : memref<4096xf32, #tpu.memory_space<vmem>>, vector<16xf32>,
      %get3A_141 = vector.shape_cast %get3A_140 : vector<16xf32> to vector<16xf32>
      %mul3A_142 = arith.constant 5.000000e+00 : f32
      %mul3A_143 = vector.broadcast %mul3A_142 : f32 to vector<16xf32>
      %mul3A_144 = arith.mulf %get3A_141, %mul3A_143 : vector<16xf32>
      %neg3A = arith.constant 0.000000e+00 : f32
      %neg3A_145 = vector.broadcast %neg3A : f32 to vector<16xf32>
      %neg3A_146 = arith.subf %neg3A_145, %mul3A_144 : vector<16xf32>
      %exp3A = math.exp %neg3A_146 : vector<16xf32>
      %add3A_147 = arith.constant 1.000000e+00 : f32
      %add3A_148 = vector.broadcast %add3A_147 : f32 to vector<16xf32>
      %add3A_149 = arith.addf %add3A_148, %exp3A : vector<16xf32>
      %div3A_150 = arith.constant 1.000000e+00 : f32
      %div3A_151 = vector.broadcast %div3A_150 : f32 to vector<16xf32>
      %div3A_152 = arith.divf %div3A_151, %add3A_149 : vector<16xf32>
      %add3A_153 = arith.addf %scan3A_137, %div3A_152 : vector<16xf32>
      scf.yield %add3A_153 : vector<16xf32>
    }
    %scan3A_26 = arith.constant 256 : i32
    %slice3A = vector.extract_strided_slice %scan3A_25 {offsets = [0], sizes = [1], strides = [1]} : vector<16xf32> to vector<1xf32>
    %squeeze3A = vector.extract %slice3A[0] : f32 from vector<1xf32>
    %slice3A_27 = vector.extract_strided_slice %scan3A_25 {offsets = [1], sizes = [1], strides = [1]} : vector<16xf32> to vector<1xf32>
    %squeeze3A_28 = vector.extract %slice3A_27[0] : f32 from vector<1xf32>
    %add3A_29 = arith.addf %squeeze3A, %squeeze3A_28 : f32
    %slice3A_30 = vector.extract_strided_slice %scan3A_25 {offsets = [2], sizes = [1], strides = [1]} : vector<16xf32> to vector<1xf32>
    %squeeze3A_31 = vector.extract %slice3A_30[0] : f32 from vector<1xf32>
    %add3A_32 = arith.addf %add3A_29, %squeeze3A_31 : f32
    %slice3A_33 = vector.extract_strided_slice %scan3A_25 {offsets = [3], sizes = [1], strides = [1]} : vector<16xf32> to vector<1xf32>
    %squeeze3A_34 = vector.extract %slice3A_33[0] : f32 from vector<1xf32>
    %add3A_35 = arith.addf %add3A_32, %squeeze3A_34 : f32
    %slice3A_36 = vector.extract_strided_slice %scan3A_25 {offsets = [4], sizes = [1], strides = [1]} : vector<16xf32> to vector<1xf32>
    %squeeze3A_37 = vector.extract %slice3A_36[0] : f32 from vector<1xf32>
    %add3A_38 = arith.addf %add3A_35, %squeeze3A_37 : f32
    %slice3A_39 = vector.extract_strided_slice %scan3A_25 {offsets = [5], sizes = [1], strides = [1]} : vector<16xf32> to vector<1xf32>
    %squeeze3A_40 = vector.extract %slice3A_39[0] : f32 from vector<1xf32>
    %add3A_41 = arith.addf %add3A_38, %squeeze3A_40 : f32
    %slice3A_42 = vector.extract_strided_slice %scan3A_25 {offsets = [6], sizes = [1], strides = [1]} : vector<16xf32> to vector<1xf32>
    %squeeze3A_43 = vector.extract %slice3A_42[0] : f32 from vector<1xf32>
    %add3A_44 = arith.addf %add3A_41, %squeeze3A_43 : f32
    %slice3A_45 = vector.extract_strided_slice %scan3A_25 {offsets = [7], sizes = [1], strides = [1]} : vector<16xf32> to vector<1xf32>
    %squeeze3A_46 = vector.extract %slice3A_45[0] : f32 from vector<1xf32>
    %add3A_47 = arith.addf %add3A_44, %squeeze3A_46 : f32
    %slice3A_48 = vector.extract_strided_slice %scan3A_25 {offsets = [8], sizes = [1], strides = [1]} : vector<16xf32> to vector<1xf32>
    %squeeze3A_49 = vector.extract %slice3A_48[0] : f32 from vector<1xf32>
    %add3A_50 = arith.addf %add3A_47, %squeeze3A_49 : f32
    %slice3A_51 = vector.extract_strided_slice %scan3A_25 {offsets = [9], sizes = [1], strides = [1]} : vector<16xf32> to vector<1xf32>
    %squeeze3A_52 = vector.extract %slice3A_51[0] : f32 from vector<1xf32>
    %add3A_53 = arith.addf %add3A_50, %squeeze3A_52 : f32
    %slice3A_54 = vector.extract_strided_slice %scan3A_25 {offsets = [10], sizes = [1], strides = [1]} : vector<16xf32> to vector<1xf32>
    %squeeze3A_55 = vector.extract %slice3A_54[0] : f32 from vector<1xf32>
    %add3A_56 = arith.addf %add3A_53, %squeeze3A_55 : f32
    %slice3A_57 = vector.extract_strided_slice %scan3A_25 {offsets = [11], sizes = [1], strides = [1]} : vector<16xf32> to vector<1xf32>
    %squeeze3A_58 = vector.extract %slice3A_57[0] : f32 from vector<1xf32>
    %add3A_59 = arith.addf %add3A_56, %squeeze3A_58 : f32
    %slice3A_60 = vector.extract_strided_slice %scan3A_25 {offsets = [12], sizes = [1], strides = [1]} : vector<16xf32> to vector<1xf32>
    %squeeze3A_61 = vector.extract %slice3A_60[0] : f32 from vector<1xf32>
    %add3A_62 = arith.addf %add3A_59, %squeeze3A_61 : f32
    %slice3A_63 = vector.extract_strided_slice %scan3A_25 {offsets = [13], sizes = [1], strides = [1]} : vector<16xf32> to vector<1xf32>
    %squeeze3A_64 = vector.extract %slice3A_63[0] : f32 from vector<1xf32>
    %add3A_65 = arith.addf %add3A_62, %squeeze3A_64 : f32
    %slice3A_66 = vector.extract_strided_slice %scan3A_25 {offsets = [14], sizes = [1], strides = [1]} : vector<16xf32> to vector<1xf32>
    %squeeze3A_67 = vector.extract %slice3A_66[0] : f32 from vector<1xf32>
    %add3A_68 = arith.addf %add3A_65, %squeeze3A_67 : f32
    %slice3A_69 = vector.extract_strided_slice %scan3A_25 {offsets = [15], sizes = [1], strides = [1]} : vector<16xf32> to vector<1xf32>
    %squeeze3A_70 = vector.extract %slice3A_69[0] : f32 from vector<1xf32>
    %add3A_71 = arith.addf %add3A_68, %squeeze3A_70 : f32
    %mul3A_72 = arith.constant 2.44140625E-4 : f32
    %mul3A_73 = arith.mulf %add3A_71, %mul3A_72 : f32
    %broadcast_in_dim3A_74 = vector.broadcast %mul3A_73 : f32 to vector<16xf32>
    %div3A_75 = arith.constant 2.500000e-01 : f32
    %div3A_76 = vector.broadcast %div3A_75 : f32 to vector<16xf32>
    %div3A_77 = arith.divf %div3A_76, %broadcast_in_dim3A_74 : vector<16xf32>
    %sub3A_78 = arith.constant 1.000000e+00 : f32
    %sub3A_79 = vector.broadcast %sub3A_78 : f32 to vector<16xf32>
    %sub3A_80 = arith.subf %sub3A_79, %broadcast_in_dim3A_74 : vector<16xf32>
    %div3A_81 = arith.constant 7.500000e-01 : f32
    %div3A_82 = vector.broadcast %div3A_81 : f32 to vector<16xf32>
    %div3A_83 = arith.divf %div3A_82, %sub3A_80 : vector<16xf32>
    %gt3A = arith.constant 2.500000e-01 : f32
    %gt3A_84 = arith.cmpf ogt, %mul3A_73, %gt3A : f32
    %jit3A_85 = arith.constant 1.000000e+00 : f32
    %jit3A_86 = arith.constant 0.000000e+00 : f32
    %select_n3A_87 = arith.select %gt3A_84, %jit3A_85, %jit3A_86 : f32
    %mul3A_88 = vector.broadcast %select_n3A_87 : f32 to vector<16xf32>
    %mul3A_89 = arith.mulf %div3A_77, %mul3A_88 : vector<16xf32>
    %sub3A_90 = arith.constant 1.000000e+00 : f32
    %sub3A_91 = arith.subf %sub3A_90, %select_n3A_87 : f32
    %mul3A_92 = vector.broadcast %sub3A_91 : f32 to vector<16xf32>
    %mul3A_93 = arith.mulf %div3A_83, %mul3A_92 : vector<16xf32>
    %add3A_94 = arith.addf %mul3A_89, %mul3A_93 : vector<16xf32>
    %sub3A_95 = arith.constant 1.000000e+00 : f32
    %sub3A_96 = vector.broadcast %sub3A_95 : f32 to vector<16xf32>
    %sub3A_97 = arith.subf %sub3A_96, %div3A_83 : vector<16xf32>
    %sub3A_98 = arith.constant 1.000000e+00 : f32
    %sub3A_99 = arith.subf %sub3A_98, %select_n3A_87 : f32
    %mul3A_100 = vector.broadcast %sub3A_99 : f32 to vector<16xf32>
    %mul3A_101 = arith.mulf %sub3A_97, %mul3A_100 : vector<16xf32>
    %scan3A_102 = arith.constant 0 : i32
    %scan3A_103 = arith.constant 0 : i32
    %scan3A_104 = arith.constant 256 : i32
    %scan3A_105 = arith.addi %scan3A_103, %scan3A_104 : i32
    %scan3A_106 = arith.constant 1 : i32
    scf.for %scan3A_136 = %scan3A_103 to %scan3A_105 step %scan3A_106  : i32 {
      %mul3A_137 = arith.constant 16 : i32
      %mul3A_138 = arith.muli %scan3A_136, %mul3A_137 : i32
      %get3A = arith.index_cast %mul3A_138 : i32 to index
      %get3A_139 = tpu.vector_load %arg6[%get3A] {strides = array<i32>} : memref<4096xf32, #tpu.memory_space<vmem>>, vector<16xf32>,
      %get3A_140 = vector.shape_cast %get3A_139 : vector<16xf32> to vector<16xf32>
      %mul3A_141 = arith.constant 5.000000e+00 : f32
      %mul3A_142 = vector.broadcast %mul3A_141 : f32 to vector<16xf32>
      %mul3A_143 = arith.mulf %get3A_140, %mul3A_142 : vector<16xf32>
      %neg3A = arith.constant 0.000000e+00 : f32
      %neg3A_144 = vector.broadcast %neg3A : f32 to vector<16xf32>
      %neg3A_145 = arith.subf %neg3A_144, %mul3A_143 : vector<16xf32>
      %exp3A = math.exp %neg3A_145 : vector<16xf32>
      %add3A_146 = arith.constant 1.000000e+00 : f32
      %add3A_147 = vector.broadcast %add3A_146 : f32 to vector<16xf32>
      %add3A_148 = arith.addf %add3A_147, %exp3A : vector<16xf32>
      %div3A_149 = arith.constant 1.000000e+00 : f32
      %div3A_150 = vector.broadcast %div3A_149 : f32 to vector<16xf32>
      %div3A_151 = arith.divf %div3A_150, %add3A_148 : vector<16xf32>
      %mul3A_152 = arith.mulf %div3A_151, %add3A_94 : vector<16xf32>
      %add3A_153 = arith.addf %mul3A_152, %mul3A_101 : vector<16xf32>
      %mul3A_154 = arith.constant 16 : i32
      %mul3A_155 = arith.muli %scan3A_136, %mul3A_154 : i32
      %get3A_156 = arith.index_cast %mul3A_155 : i32 to index
      %get3A_157 = tpu.vector_load %arg7[%get3A_156] {strides = array<i32>} : memref<4096xf32, #tpu.memory_space<vmem>>, vector<16xf32>,
      %get3A_158 = vector.shape_cast %get3A_157 : vector<16xf32> to vector<16xf32>
      %sub3A_159 = arith.subf %add3A_153, %get3A_158 : vector<16xf32>
      %mul3A_160 = arith.constant 1.200000e+01 : f32
      %mul3A_161 = vector.broadcast %mul3A_160 : f32 to vector<16xf32>
      %mul3A_162 = arith.mulf %sub3A_159, %mul3A_161 : vector<16xf32>
      %neg3A_163 = arith.constant 0.000000e+00 : f32
      %neg3A_164 = vector.broadcast %neg3A_163 : f32 to vector<16xf32>
      %neg3A_165 = arith.subf %neg3A_164, %mul3A_162 : vector<16xf32>
      %exp3A_166 = math.exp %neg3A_165 : vector<16xf32>
      %add3A_167 = arith.constant 1.000000e+00 : f32
      %add3A_168 = vector.broadcast %add3A_167 : f32 to vector<16xf32>
      %add3A_169 = arith.addf %add3A_168, %exp3A_166 : vector<16xf32>
      %div3A_170 = arith.constant 1.000000e+00 : f32
      %div3A_171 = vector.broadcast %div3A_170 : f32 to vector<16xf32>
      %div3A_172 = arith.divf %div3A_171, %add3A_169 : vector<16xf32>
      %mul3A_173 = arith.constant 16 : i32
      %mul3A_174 = arith.muli %scan3A_136, %mul3A_173 : i32
      %swap3A = arith.index_cast %mul3A_174 : i32 to index
      %swap3A_175 = tpu.vector_load %arg8[%swap3A] {strides = array<i32>} : memref<4096xf32, #tpu.memory_space<vmem>>, vector<16xf32>,
      %swap3A_176 = vector.shape_cast %swap3A_175 : vector<16xf32> to vector<16xf32>
      %swap3A_177 = vector.shape_cast %div3A_172 : vector<16xf32> to vector<16xf32>
      tpu.vector_store %arg8[%swap3A], %swap3A_177 {strides = array<i32>} : memref<4096xf32, #tpu.memory_space<vmem>>, vector<16xf32>,
    }
    %scan3A_107 = arith.constant 256 : i32
    %add3A_108 = arith.constant 0 : i32
    %add3A_109 = arith.addi %mul3A_2, %add3A_108 : i32
    %dma_start3A = arith.constant 0 : i32
    %dma_start3A_110 = tpu.memref_slice %arg2[%add3A_109, %dma_start3A] : memref<16384x4096xf32, #tpu.memory_space<hbm>> -> memref<4x4096xf32, #tpu.memory_space<hbm>>
    %dma_start3A_111 = arith.constant 0 : i32
    %dma_start3A_112 = tpu.memref_slice %arg2[%add3A_109, %dma_start3A_111] : memref<16384x4096xf32, #tpu.memory_space<hbm>> -> memref<4x4096xf32, #tpu.memory_space<hbm>>
    tpu.enqueue_dma source(%dma_start3A_112 : memref<4x4096xf32, #tpu.memory_space<hbm>>) target(%arg9 : memref<4x4096xf32, #tpu.memory_space<vmem>>) target_semaphore(%arg13 : memref<!tpu.dma_semaphore, #tpu.memory_space<semaphore_mem>>)
    %scan3A_113 = arith.constant 0 : i32
    %scan3A_114 = arith.constant 0 : i32
    %scan3A_115 = arith.constant 32 : i32
    %scan3A_116 = arith.addi %scan3A_114, %scan3A_115 : i32
    %scan3A_117 = arith.constant 1 : i32
    scf.for %scan3A_136 = %scan3A_114 to %scan3A_116 step %scan3A_117  : i32 {
      %mul3A_137 = arith.constant 4 : i32
      %mul3A_138 = arith.muli %scan3A_136, %mul3A_137 : i32
      %add3A_139 = arith.constant 0 : i32
      %add3A_140 = arith.addi %mul3A_138, %add3A_139 : i32
      %mul3A_141 = arith.constant 4 : i32
      %mul3A_142 = arith.muli %add3A_140, %mul3A_141 : i32
      %add3A_143 = arith.addi %mul3A_2, %mul3A_142 : i32
      %dma_wait3A_144 = arith.constant 0 : i32
      %dma_wait3A_145 = tpu.memref_slice %arg2[%add3A_143, %dma_wait3A_144] : memref<16384x4096xf32, #tpu.memory_space<hbm>> -> memref<4x4096xf32, #tpu.memory_space<hbm>>
      %dma_wait3A_146 = arith.constant 0 : i32
      %dma_wait3A_147 = tpu.memref_slice %arg2[%add3A_143, %dma_wait3A_146] : memref<16384x4096xf32, #tpu.memory_space<hbm>> -> memref<4x4096xf32, #tpu.memory_space<hbm>>
      tpu.wait_dma2 semaphore(%arg13 : memref<!tpu.dma_semaphore, #tpu.memory_space<semaphore_mem>>) src(%dma_wait3A_147 : memref<4x4096xf32, #tpu.memory_space<hbm>>) dst(%arg9 : memref<4x4096xf32, #tpu.memory_space<vmem>>)
      %mul3A_148 = arith.constant 4 : i32
      %mul3A_149 = arith.muli %add3A_140, %mul3A_148 : i32
      %add3A_150 = arith.addi %mul3A_2, %mul3A_149 : i32
      %dma_start3A_151 = arith.constant 0 : i32
      %dma_start3A_152 = tpu.memref_slice %arg5[%add3A_150, %dma_start3A_151] : memref<16384x4096xf32, #tpu.memory_space<hbm>> -> memref<4x4096xf32, #tpu.memory_space<hbm>>
      %dma_start3A_153 = arith.constant 0 : i32
      %dma_start3A_154 = tpu.memref_slice %arg5[%add3A_150, %dma_start3A_153] : memref<16384x4096xf32, #tpu.memory_space<hbm>> -> memref<4x4096xf32, #tpu.memory_space<hbm>>
      tpu.enqueue_dma source(%arg9 : memref<4x4096xf32, #tpu.memory_space<vmem>>) target(%dma_start3A_154 : memref<4x4096xf32, #tpu.memory_space<hbm>>) target_semaphore(%arg17 : memref<!tpu.dma_semaphore, #tpu.memory_space<semaphore_mem>>)
      %ge3A = arith.constant 3 : i32
      %ge3A_155 = arith.cmpi sge, %add3A_140, %ge3A : i32
      %convert_element_type3A = arith.extui %ge3A_155 : i1 to i32
      %cond3A = arith.constant 0 : i32
      %cond3A_156 = arith.cmpi ne, %convert_element_type3A, %cond3A : i32
      scf.if %cond3A_156 {
        %sub3A_253 = arith.constant 3 : i32
        %sub3A_254 = arith.subi %add3A_140, %sub3A_253 : i32
        %mul3A_255 = arith.constant 4 : i32
        %mul3A_256 = arith.muli %sub3A_254, %mul3A_255 : i32
        %add3A_257 = arith.addi %mul3A_2, %mul3A_256 : i32
        %dma_wait3A_258 = arith.constant 0 : i32
        %dma_wait3A_259 = tpu.memref_slice %arg5[%add3A_257, %dma_wait3A_258] : memref<16384x4096xf32, #tpu.memory_space<hbm>> -> memref<4x4096xf32, #tpu.memory_space<hbm>>
        %dma_wait3A_260 = arith.constant 0 : i32
        %dma_wait3A_261 = tpu.memref_slice %arg5[%add3A_257, %dma_wait3A_260] : memref<16384x4096xf32, #tpu.memory_space<hbm>> -> memref<4x4096xf32, #tpu.memory_space<hbm>>
        tpu.wait_dma2 semaphore(%arg18 : memref<!tpu.dma_semaphore, #tpu.memory_space<semaphore_mem>>) src(%arg10 : memref<4x4096xf32, #tpu.memory_space<vmem>>) dst(%dma_wait3A_261 : memref<4x4096xf32, #tpu.memory_space<hbm>>)
      } else {
      }
      %add3A_157 = arith.constant 1 : i32
      %add3A_158 = arith.addi %add3A_140, %add3A_157 : i32
      %lt3A = arith.constant 128 : i32
      %lt3A_159 = arith.cmpi slt, %add3A_158, %lt3A : i32
      %convert_element_type3A_160 = arith.extui %lt3A_159 : i1 to i32
      %cond3A_161 = arith.constant 0 : i32
      %cond3A_162 = arith.cmpi ne, %convert_element_type3A_160, %cond3A_161 : i32
      scf.if %cond3A_162 {
        %add3A_253 = arith.constant 1 : i32
        %add3A_254 = arith.addi %add3A_140, %add3A_253 : i32
        %mul3A_255 = arith.constant 4 : i32
        %mul3A_256 = arith.muli %add3A_254, %mul3A_255 : i32
        %add3A_257 = arith.addi %mul3A_2, %mul3A_256 : i32
        %dma_start3A_258 = arith.constant 0 : i32
        %dma_start3A_259 = tpu.memref_slice %arg2[%add3A_257, %dma_start3A_258] : memref<16384x4096xf32, #tpu.memory_space<hbm>> -> memref<4x4096xf32, #tpu.memory_space<hbm>>
        %dma_start3A_260 = arith.constant 0 : i32
        %dma_start3A_261 = tpu.memref_slice %arg2[%add3A_257, %dma_start3A_260] : memref<16384x4096xf32, #tpu.memory_space<hbm>> -> memref<4x4096xf32, #tpu.memory_space<hbm>>
        tpu.enqueue_dma source(%dma_start3A_261 : memref<4x4096xf32, #tpu.memory_space<hbm>>) target(%arg10 : memref<4x4096xf32, #tpu.memory_space<vmem>>) target_semaphore(%arg14 : memref<!tpu.dma_semaphore, #tpu.memory_space<semaphore_mem>>)
      } else {
      }
      %mul3A_163 = arith.constant 4 : i32
      %mul3A_164 = arith.muli %scan3A_136, %mul3A_163 : i32
      %add3A_165 = arith.constant 1 : i32
      %add3A_166 = arith.addi %mul3A_164, %add3A_165 : i32
      %mul3A_167 = arith.constant 4 : i32
      %mul3A_168 = arith.muli %add3A_166, %mul3A_167 : i32
      %add3A_169 = arith.addi %mul3A_2, %mul3A_168 : i32
      %dma_wait3A_170 = arith.constant 0 : i32
      %dma_wait3A_171 = tpu.memref_slice %arg2[%add3A_169, %dma_wait3A_170] : memref<16384x4096xf32, #tpu.memory_space<hbm>> -> memref<4x4096xf32, #tpu.memory_space<hbm>>
      %dma_wait3A_172 = arith.constant 0 : i32
      %dma_wait3A_173 = tpu.memref_slice %arg2[%add3A_169, %dma_wait3A_172] : memref<16384x4096xf32, #tpu.memory_space<hbm>> -> memref<4x4096xf32, #tpu.memory_space<hbm>>
      tpu.wait_dma2 semaphore(%arg14 : memref<!tpu.dma_semaphore, #tpu.memory_space<semaphore_mem>>) src(%dma_wait3A_173 : memref<4x4096xf32, #tpu.memory_space<hbm>>) dst(%arg10 : memref<4x4096xf32, #tpu.memory_space<vmem>>)
      %mul3A_174 = arith.constant 4 : i32
      %mul3A_175 = arith.muli %add3A_166, %mul3A_174 : i32
      %add3A_176 = arith.addi %mul3A_2, %mul3A_175 : i32
      %dma_start3A_177 = arith.constant 0 : i32
      %dma_start3A_178 = tpu.memref_slice %arg5[%add3A_176, %dma_start3A_177] : memref<16384x4096xf32, #tpu.memory_space<hbm>> -> memref<4x4096xf32, #tpu.memory_space<hbm>>
      %dma_start3A_179 = arith.constant 0 : i32
      %dma_start3A_180 = tpu.memref_slice %arg5[%add3A_176, %dma_start3A_179] : memref<16384x4096xf32, #tpu.memory_space<hbm>> -> memref<4x4096xf32, #tpu.memory_space<hbm>>
      tpu.enqueue_dma source(%arg10 : memref<4x4096xf32, #tpu.memory_space<vmem>>) target(%dma_start3A_180 : memref<4x4096xf32, #tpu.memory_space<hbm>>) target_semaphore(%arg18 : memref<!tpu.dma_semaphore, #tpu.memory_space<semaphore_mem>>)
      %ge3A_181 = arith.constant 3 : i32
      %ge3A_182 = arith.cmpi sge, %add3A_166, %ge3A_181 : i32
      %convert_element_type3A_183 = arith.extui %ge3A_182 : i1 to i32
      %cond3A_184 = arith.constant 0 : i32
      %cond3A_185 = arith.cmpi ne, %convert_element_type3A_183, %cond3A_184 : i32
      scf.if %cond3A_185 {
        %sub3A_253 = arith.constant 3 : i32
        %sub3A_254 = arith.subi %add3A_166, %sub3A_253 : i32
        %mul3A_255 = arith.constant 4 : i32
        %mul3A_256 = arith.muli %sub3A_254, %mul3A_255 : i32
        %add3A_257 = arith.addi %mul3A_2, %mul3A_256 : i32
        %dma_wait3A_258 = arith.constant 0 : i32
        %dma_wait3A_259 = tpu.memref_slice %arg5[%add3A_257, %dma_wait3A_258] : memref<16384x4096xf32, #tpu.memory_space<hbm>> -> memref<4x4096xf32, #tpu.memory_space<hbm>>
        %dma_wait3A_260 = arith.constant 0 : i32
        %dma_wait3A_261 = tpu.memref_slice %arg5[%add3A_257, %dma_wait3A_260] : memref<16384x4096xf32, #tpu.memory_space<hbm>> -> memref<4x4096xf32, #tpu.memory_space<hbm>>
        tpu.wait_dma2 semaphore(%arg19 : memref<!tpu.dma_semaphore, #tpu.memory_space<semaphore_mem>>) src(%arg11 : memref<4x4096xf32, #tpu.memory_space<vmem>>) dst(%dma_wait3A_261 : memref<4x4096xf32, #tpu.memory_space<hbm>>)
      } else {
      }
      %add3A_186 = arith.constant 1 : i32
      %add3A_187 = arith.addi %add3A_166, %add3A_186 : i32
      %lt3A_188 = arith.constant 128 : i32
      %lt3A_189 = arith.cmpi slt, %add3A_187, %lt3A_188 : i32
      %convert_element_type3A_190 = arith.extui %lt3A_189 : i1 to i32
      %cond3A_191 = arith.constant 0 : i32
      %cond3A_192 = arith.cmpi ne, %convert_element_type3A_190, %cond3A_191 : i32
      scf.if %cond3A_192 {
        %add3A_253 = arith.constant 1 : i32
        %add3A_254 = arith.addi %add3A_166, %add3A_253 : i32
        %mul3A_255 = arith.constant 4 : i32
        %mul3A_256 = arith.muli %add3A_254, %mul3A_255 : i32
        %add3A_257 = arith.addi %mul3A_2, %mul3A_256 : i32
        %dma_start3A_258 = arith.constant 0 : i32
        %dma_start3A_259 = tpu.memref_slice %arg2[%add3A_257, %dma_start3A_258] : memref<16384x4096xf32, #tpu.memory_space<hbm>> -> memref<4x4096xf32, #tpu.memory_space<hbm>>
        %dma_start3A_260 = arith.constant 0 : i32
        %dma_start3A_261 = tpu.memref_slice %arg2[%add3A_257, %dma_start3A_260] : memref<16384x4096xf32, #tpu.memory_space<hbm>> -> memref<4x4096xf32, #tpu.memory_space<hbm>>
        tpu.enqueue_dma source(%dma_start3A_261 : memref<4x4096xf32, #tpu.memory_space<hbm>>) target(%arg11 : memref<4x4096xf32, #tpu.memory_space<vmem>>) target_semaphore(%arg15 : memref<!tpu.dma_semaphore, #tpu.memory_space<semaphore_mem>>)
      } else {
      }
      %mul3A_193 = arith.constant 4 : i32
      %mul3A_194 = arith.muli %scan3A_136, %mul3A_193 : i32
      %add3A_195 = arith.constant 2 : i32
      %add3A_196 = arith.addi %mul3A_194, %add3A_195 : i32
      %mul3A_197 = arith.constant 4 : i32
      %mul3A_198 = arith.muli %add3A_196, %mul3A_197 : i32
      %add3A_199 = arith.addi %mul3A_2, %mul3A_198 : i32
      %dma_wait3A_200 = arith.constant 0 : i32
      %dma_wait3A_201 = tpu.memref_slice %arg2[%add3A_199, %dma_wait3A_200] : memref<16384x4096xf32, #tpu.memory_space<hbm>> -> memref<4x4096xf32, #tpu.memory_space<hbm>>
      %dma_wait3A_202 = arith.constant 0 : i32
      %dma_wait3A_203 = tpu.memref_slice %arg2[%add3A_199, %dma_wait3A_202] : memref<16384x4096xf32, #tpu.memory_space<hbm>> -> memref<4x4096xf32, #tpu.memory_space<hbm>>
      tpu.wait_dma2 semaphore(%arg15 : memref<!tpu.dma_semaphore, #tpu.memory_space<semaphore_mem>>) src(%dma_wait3A_203 : memref<4x4096xf32, #tpu.memory_space<hbm>>) dst(%arg11 : memref<4x4096xf32, #tpu.memory_space<vmem>>)
      %mul3A_204 = arith.constant 4 : i32
      %mul3A_205 = arith.muli %add3A_196, %mul3A_204 : i32
      %add3A_206 = arith.addi %mul3A_2, %mul3A_205 : i32
      %dma_start3A_207 = arith.constant 0 : i32
      %dma_start3A_208 = tpu.memref_slice %arg5[%add3A_206, %dma_start3A_207] : memref<16384x4096xf32, #tpu.memory_space<hbm>> -> memref<4x4096xf32, #tpu.memory_space<hbm>>
      %dma_start3A_209 = arith.constant 0 : i32
      %dma_start3A_210 = tpu.memref_slice %arg5[%add3A_206, %dma_start3A_209] : memref<16384x4096xf32, #tpu.memory_space<hbm>> -> memref<4x4096xf32, #tpu.memory_space<hbm>>
      tpu.enqueue_dma source(%arg11 : memref<4x4096xf32, #tpu.memory_space<vmem>>) target(%dma_start3A_210 : memref<4x4096xf32, #tpu.memory_space<hbm>>) target_semaphore(%arg19 : memref<!tpu.dma_semaphore, #tpu.memory_space<semaphore_mem>>)
      %ge3A_211 = arith.constant 3 : i32
      %ge3A_212 = arith.cmpi sge, %add3A_196, %ge3A_211 : i32
      %convert_element_type3A_213 = arith.extui %ge3A_212 : i1 to i32
      %cond3A_214 = arith.constant 0 : i32
      %cond3A_215 = arith.cmpi ne, %convert_element_type3A_213, %cond3A_214 : i32
      scf.if %cond3A_215 {
        %sub3A_253 = arith.constant 3 : i32
        %sub3A_254 = arith.subi %add3A_196, %sub3A_253 : i32
        %mul3A_255 = arith.constant 4 : i32
        %mul3A_256 = arith.muli %sub3A_254, %mul3A_255 : i32
        %add3A_257 = arith.addi %mul3A_2, %mul3A_256 : i32
        %dma_wait3A_258 = arith.constant 0 : i32
        %dma_wait3A_259 = tpu.memref_slice %arg5[%add3A_257, %dma_wait3A_258] : memref<16384x4096xf32, #tpu.memory_space<hbm>> -> memref<4x4096xf32, #tpu.memory_space<hbm>>
        %dma_wait3A_260 = arith.constant 0 : i32
        %dma_wait3A_261 = tpu.memref_slice %arg5[%add3A_257, %dma_wait3A_260] : memref<16384x4096xf32, #tpu.memory_space<hbm>> -> memref<4x4096xf32, #tpu.memory_space<hbm>>
        tpu.wait_dma2 semaphore(%arg20 : memref<!tpu.dma_semaphore, #tpu.memory_space<semaphore_mem>>) src(%arg12 : memref<4x4096xf32, #tpu.memory_space<vmem>>) dst(%dma_wait3A_261 : memref<4x4096xf32, #tpu.memory_space<hbm>>)
      } else {
      }
      %add3A_216 = arith.constant 1 : i32
      %add3A_217 = arith.addi %add3A_196, %add3A_216 : i32
      %lt3A_218 = arith.constant 128 : i32
      %lt3A_219 = arith.cmpi slt, %add3A_217, %lt3A_218 : i32
      %convert_element_type3A_220 = arith.extui %lt3A_219 : i1 to i32
      %cond3A_221 = arith.constant 0 : i32
      %cond3A_222 = arith.cmpi ne, %convert_element_type3A_220, %cond3A_221 : i32
      scf.if %cond3A_222 {
        %add3A_253 = arith.constant 1 : i32
        %add3A_254 = arith.addi %add3A_196, %add3A_253 : i32
        %mul3A_255 = arith.constant 4 : i32
        %mul3A_256 = arith.muli %add3A_254, %mul3A_255 : i32
        %add3A_257 = arith.addi %mul3A_2, %mul3A_256 : i32
        %dma_start3A_258 = arith.constant 0 : i32
        %dma_start3A_259 = tpu.memref_slice %arg2[%add3A_257, %dma_start3A_258] : memref<16384x4096xf32, #tpu.memory_space<hbm>> -> memref<4x4096xf32, #tpu.memory_space<hbm>>
        %dma_start3A_260 = arith.constant 0 : i32
        %dma_start3A_261 = tpu.memref_slice %arg2[%add3A_257, %dma_start3A_260] : memref<16384x4096xf32, #tpu.memory_space<hbm>> -> memref<4x4096xf32, #tpu.memory_space<hbm>>
        tpu.enqueue_dma source(%dma_start3A_261 : memref<4x4096xf32, #tpu.memory_space<hbm>>) target(%arg12 : memref<4x4096xf32, #tpu.memory_space<vmem>>) target_semaphore(%arg16 : memref<!tpu.dma_semaphore, #tpu.memory_space<semaphore_mem>>)
      } else {
      }
      %mul3A_223 = arith.constant 4 : i32
      %mul3A_224 = arith.muli %scan3A_136, %mul3A_223 : i32
      %add3A_225 = arith.constant 3 : i32
      %add3A_226 = arith.addi %mul3A_224, %add3A_225 : i32
      %mul3A_227 = arith.constant 4 : i32
      %mul3A_228 = arith.muli %add3A_226, %mul3A_227 : i32
      %add3A_229 = arith.addi %mul3A_2, %mul3A_228 : i32
      %dma_wait3A_230 = arith.constant 0 : i32
      %dma_wait3A_231 = tpu.memref_slice %arg2[%add3A_229, %dma_wait3A_230] : memref<16384x4096xf32, #tpu.memory_space<hbm>> -> memref<4x4096xf32, #tpu.memory_space<hbm>>
      %dma_wait3A_232 = arith.constant 0 : i32
      %dma_wait3A_233 = tpu.memref_slice %arg2[%add3A_229, %dma_wait3A_232] : memref<16384x4096xf32, #tpu.memory_space<hbm>> -> memref<4x4096xf32, #tpu.memory_space<hbm>>
      tpu.wait_dma2 semaphore(%arg16 : memref<!tpu.dma_semaphore, #tpu.memory_space<semaphore_mem>>) src(%dma_wait3A_233 : memref<4x4096xf32, #tpu.memory_space<hbm>>) dst(%arg12 : memref<4x4096xf32, #tpu.memory_space<vmem>>)
      %mul3A_234 = arith.constant 4 : i32
      %mul3A_235 = arith.muli %add3A_226, %mul3A_234 : i32
      %add3A_236 = arith.addi %mul3A_2, %mul3A_235 : i32
      %dma_start3A_237 = arith.constant 0 : i32
      %dma_start3A_238 = tpu.memref_slice %arg5[%add3A_236, %dma_start3A_237] : memref<16384x4096xf32, #tpu.memory_space<hbm>> -> memref<4x4096xf32, #tpu.memory_space<hbm>>
      %dma_start3A_239 = arith.constant 0 : i32
      %dma_start3A_240 = tpu.memref_slice %arg5[%add3A_236, %dma_start3A_239] : memref<16384x4096xf32, #tpu.memory_space<hbm>> -> memref<4x4096xf32, #tpu.memory_space<hbm>>
      tpu.enqueue_dma source(%arg12 : memref<4x4096xf32, #tpu.memory_space<vmem>>) target(%dma_start3A_240 : memref<4x4096xf32, #tpu.memory_space<hbm>>) target_semaphore(%arg20 : memref<!tpu.dma_semaphore, #tpu.memory_space<semaphore_mem>>)
      %ge3A_241 = arith.constant 3 : i32
      %ge3A_242 = arith.cmpi sge, %add3A_226, %ge3A_241 : i32
      %convert_element_type3A_243 = arith.extui %ge3A_242 : i1 to i32
      %cond3A_244 = arith.constant 0 : i32
      %cond3A_245 = arith.cmpi ne, %convert_element_type3A_243, %cond3A_244 : i32
      scf.if %cond3A_245 {
        %sub3A_253 = arith.constant 3 : i32
        %sub3A_254 = arith.subi %add3A_226, %sub3A_253 : i32
        %mul3A_255 = arith.constant 4 : i32
        %mul3A_256 = arith.muli %sub3A_254, %mul3A_255 : i32
        %add3A_257 = arith.addi %mul3A_2, %mul3A_256 : i32
        %dma_wait3A_258 = arith.constant 0 : i32
        %dma_wait3A_259 = tpu.memref_slice %arg5[%add3A_257, %dma_wait3A_258] : memref<16384x4096xf32, #tpu.memory_space<hbm>> -> memref<4x4096xf32, #tpu.memory_space<hbm>>
        %dma_wait3A_260 = arith.constant 0 : i32
        %dma_wait3A_261 = tpu.memref_slice %arg5[%add3A_257, %dma_wait3A_260] : memref<16384x4096xf32, #tpu.memory_space<hbm>> -> memref<4x4096xf32, #tpu.memory_space<hbm>>
        tpu.wait_dma2 semaphore(%arg17 : memref<!tpu.dma_semaphore, #tpu.memory_space<semaphore_mem>>) src(%arg9 : memref<4x4096xf32, #tpu.memory_space<vmem>>) dst(%dma_wait3A_261 : memref<4x4096xf32, #tpu.memory_space<hbm>>)
      } else {
      }
      %add3A_246 = arith.constant 1 : i32
      %add3A_247 = arith.addi %add3A_226, %add3A_246 : i32
      %lt3A_248 = arith.constant 128 : i32
      %lt3A_249 = arith.cmpi slt, %add3A_247, %lt3A_248 : i32
      %convert_element_type3A_250 = arith.extui %lt3A_249 : i1 to i32
      %cond3A_251 = arith.constant 0 : i32
      %cond3A_252 = arith.cmpi ne, %convert_element_type3A_250, %cond3A_251 : i32
      scf.if %cond3A_252 {
        %add3A_253 = arith.constant 1 : i32
        %add3A_254 = arith.addi %add3A_226, %add3A_253 : i32
        %mul3A_255 = arith.constant 4 : i32
        %mul3A_256 = arith.muli %add3A_254, %mul3A_255 : i32
        %add3A_257 = arith.addi %mul3A_2, %mul3A_256 : i32
        %dma_start3A_258 = arith.constant 0 : i32
        %dma_start3A_259 = tpu.memref_slice %arg2[%add3A_257, %dma_start3A_258] : memref<16384x4096xf32, #tpu.memory_space<hbm>> -> memref<4x4096xf32, #tpu.memory_space<hbm>>
        %dma_start3A_260 = arith.constant 0 : i32
        %dma_start3A_261 = tpu.memref_slice %arg2[%add3A_257, %dma_start3A_260] : memref<16384x4096xf32, #tpu.memory_space<hbm>> -> memref<4x4096xf32, #tpu.memory_space<hbm>>
        tpu.enqueue_dma source(%dma_start3A_261 : memref<4x4096xf32, #tpu.memory_space<hbm>>) target(%arg9 : memref<4x4096xf32, #tpu.memory_space<vmem>>) target_semaphore(%arg13 : memref<!tpu.dma_semaphore, #tpu.memory_space<semaphore_mem>>)
      } else {
      }
    }
    %scan3A_118 = arith.constant 32 : i32
    %add3A_119 = arith.constant 500 : i32
    %add3A_120 = arith.addi %mul3A_2, %add3A_119 : i32
    %dma_wait3A = arith.constant 0 : i32
    %dma_wait3A_121 = tpu.memref_slice %arg5[%add3A_120, %dma_wait3A] : memref<16384x4096xf32, #tpu.memory_space<hbm>> -> memref<4x4096xf32, #tpu.memory_space<hbm>>
    %dma_wait3A_122 = arith.constant 0 : i32
    %dma_wait3A_123 = tpu.memref_slice %arg5[%add3A_120, %dma_wait3A_122] : memref<16384x4096xf32, #tpu.memory_space<hbm>> -> memref<4x4096xf32, #tpu.memory_space<hbm>>
    tpu.wait_dma2 semaphore(%arg18 : memref<!tpu.dma_semaphore, #tpu.memory_space<semaphore_mem>>) src(%arg10 : memref<4x4096xf32, #tpu.memory_space<vmem>>) dst(%dma_wait3A_123 : memref<4x4096xf32, #tpu.memory_space<hbm>>)
    %add3A_124 = arith.constant 504 : i32
    %add3A_125 = arith.addi %mul3A_2, %add3A_124 : i32
    %dma_wait3A_126 = arith.constant 0 : i32
    %dma_wait3A_127 = tpu.memref_slice %arg5[%add3A_125, %dma_wait3A_126] : memref<16384x4096xf32, #tpu.memory_space<hbm>> -> memref<4x4096xf32, #tpu.memory_space<hbm>>
    %dma_wait3A_128 = arith.constant 0 : i32
    %dma_wait3A_129 = tpu.memref_slice %arg5[%add3A_125, %dma_wait3A_128] : memref<16384x4096xf32, #tpu.memory_space<hbm>> -> memref<4x4096xf32, #tpu.memory_space<hbm>>
    tpu.wait_dma2 semaphore(%arg19 : memref<!tpu.dma_semaphore, #tpu.memory_space<semaphore_mem>>) src(%arg11 : memref<4x4096xf32, #tpu.memory_space<vmem>>) dst(%dma_wait3A_129 : memref<4x4096xf32, #tpu.memory_space<hbm>>)
    %add3A_130 = arith.constant 508 : i32
    %add3A_131 = arith.addi %mul3A_2, %add3A_130 : i32
    %dma_wait3A_132 = arith.constant 0 : i32
    %dma_wait3A_133 = tpu.memref_slice %arg5[%add3A_131, %dma_wait3A_132] : memref<16384x4096xf32, #tpu.memory_space<hbm>> -> memref<4x4096xf32, #tpu.memory_space<hbm>>
    %dma_wait3A_134 = arith.constant 0 : i32
    %dma_wait3A_135 = tpu.memref_slice %arg5[%add3A_131, %dma_wait3A_134] : memref<16384x4096xf32, #tpu.memory_space<hbm>> -> memref<4x4096xf32, #tpu.memory_space<hbm>>
    tpu.wait_dma2 semaphore(%arg20 : memref<!tpu.dma_semaphore, #tpu.memory_space<semaphore_mem>>) src(%arg12 : memref<4x4096xf32, #tpu.memory_space<vmem>>) dst(%dma_wait3A_135 : memref<4x4096xf32, #tpu.memory_space<hbm>>)
    return
  }
}

</mosaic_0001>

<sc_bundles>
// kernel: kernel.3.cloned.1.call-start
scs
__scs_entry_jumppad:
0x0: {  	(pc) =	sbr.rel $0x88, $3  }
0x1: {  	(tag) =	ssettag $0x0;
	lr =	simm.s32 $0x1  }
0x2: {  	[smem:$0x3F9E] =	sst lr;
	_ =	strace $0xD0000000  }
0x3: {  	_ = 	snop  }
0x4: {  	_ = 	snop  }
0x5: {  	_ = 	snop  }
0x6: {  	_ = 	snop  }
0x7: {  	_ = 	snop  }
__scs_overlays_trampoline_lowered:
0x8: {  	[smem:$0x3FAD] =	sst s0  }
0x9: {  	[smem:$0x3FAE] =	sst s1  }
0xa: {  	[smem:$0x3FAF] =	sst s2  }
0xb: {  	[smem:$0x3FB0] =	sst s3  }
0xc: {  	[smem:$0x3FB1] =	sst s4  }
0xd: {  	[smem:$0x3FB2] =	sst s5  }
0xe: {  	[smem:$0x3FB3] =	sst s6  }
0xf: {  	[smem:$0x3FB4] =	sst s7  }
0x10: {  	[smem:$0x3FB5] =	sst s8  }
0x11: {  	[smem:$0x3FB6] =	sst s9;
	s0 =	simm.s32 @!p0 $0x0  }
0x12: {  	s1 =	sld [smem:$0x3F9C];
	s0 =	simm.s32 @p0 $0x1  }
0x13: {  	[smem:$0x3FB7] =	sst s0;
	s0 =	simm.s32 @!p1 $0x0  }
0x14: {  	s2 =	sld [smem:$0x3F9B];
	s0 =	simm.s32 @p1 $0x1  }
0x15: {  	[smem:$0x3FB8] =	sst s0;
	s0 =	simm.s32 @!p2 $0x0  }
0x16: {  	s3 =	sld [smem:$0x3FDB];
	s0 =	simm.s32 @p2 $0x1  }
0x17: {  	s4 =	simm.s32 $0x1BF5;
	[smem:$0x3FBA] =	sst s0  }
0x18: {  	s0 =	sld [smem:$0x3F9D];
	_ =	swait.ge [sflag:s4], $0x0  }
0x19: {  	s7 =	sld [smem:$0x3F9E]  }
0x1a: {  	s8 =	sadd.s32 $0xFFFFE003, lr  }
0x1b: {  	s9 =	sadd.s32 $0xFFFFFEF7, lr;
	s5 =	simm.s32 $0xFFFFFFFF;
	p2 =	slt.u32 s8, $0xFFFFF086  }
0x1c: {  	p1 =	slt.u32 s9, $0xF7A;
	s5 =	simm.s32 @!p2 $0x0  }
0x1d: {  	s5 =	simm.s32 @p1 $0x1;
	p0 =	seq.s32 s7, s2  }
0x1e: {  	s7 =	smul.u32 @!p0 $0xF7A, s2;
	p2 =	seq.s32 @!p0 s5, $0x0  }
0x1f: {  	s9 =	smul.u32 $0xF7A, s1;
	s8 =	simm.s32 @!p0 $0x1BF5;
	p2 =	por !p2, p0  }
0x20: {  	[sflag:s8] =	ssyncset.s32 @!p0 $0xFFFFF086;
	s6 =	sadd.s32 @!p0 s3, s7;
	s7 =	simm.s32 @!p0 $0x108  }
0x21: {  	s3 =	sadd.s32 s3, s9;
	s6 =	sadd.s32 @!p0 $0x88, s6;
	s7 =	simm.s32 @p2 $0x1082  }
0x22: {  	[simem:s7], [sflag:s8] =	dma.local @!p0 [hbm:s6], $0xF7A  }
0x23: {  	s9 =	sor.u32 $0xD0000000, s2;
	s6 =	simm.s32 $0x108;
	_ =	swait.ge @!p0 [sflag:s8], $0x0  }
0x24: {  	s3 =	sadd.s32 $0x88, s3;
	s6 =	simm.s32 @!p1 $0x1082;
	[sflag:s4] =	ssyncset.s32 $0xFFFFF086  }
0x25: {  	[simem:s6], [sflag:s4] =	dma.local [hbm:s3], $0xF7A  }
0x26: {  	[smem:$0x3F9E] =	sst s1;
	(tag) =	ssettag s2;
	_ =	strace s9  }
0x27: {  	s1 =	sld [smem:$0x3FAE]  }
0x28: {  	s2 =	sld [smem:$0x3FAF]  }
0x29: {  	s4 =	sld [smem:$0x3FB1]  }
0x2a: {  	p0 =	seq.s32 s5, $0x0;
	s5 =	sld [smem:$0x3FB2]  }
0x2b: {  	s6 =	sld [smem:$0x3FB3]  }
0x2c: {  	s7 =	sld [smem:$0x3FB4]  }
0x2d: {  	s3 =	simm.s32 $0x108;
	s8 =	sld [smem:$0x3FB5]  }
0x2e: {  	s3 =	simm.s32 @!p0 $0x1082;
	s9 =	sld [smem:$0x3FB6]  }
0x2f: {  	lr =	sadd.s32 s0, s3;
	s0 =	sld [smem:$0x3FAD]  }
0x30: {  	s3 =	sld [smem:$0x3FB0]  }
0x31: {  	[smem:$0x3FB9] =	sst s10  }
0x32: {  	s10 =	sld [smem:$0x3FB7];
	_ =	sdelay $0x3  }
0x33: {  	p0 =	seq.s32 s10, $0x1;
	s10 =	sld [smem:$0x3FB9];
	_ =	sdelay $0x3  }
0x34: {  	[smem:$0x3FB9] =	sst s10  }
0x35: {  	s10 =	sld [smem:$0x3FB8];
	_ =	sdelay $0x3  }
0x36: {  	p1 =	seq.s32 s10, $0x1;
	s10 =	sld [smem:$0x3FB9];
	_ =	sdelay $0x3  }
0x37: {  	[smem:$0x3FB9] =	sst s10  }
0x38: {  	s10 =	sld [smem:$0x3FBA]  }
0x39: {  	_ = 	snop;
	(pc) =	sbr.ind lr, $3  }
0x3a: {  	_ = 	snop  }
0x3b: {  	_ = 	snop  }
0x3c: {  	p2 =	seq.s32 s10, $0x1;
	s10 =	sld [smem:$0x3FB9]  }
0x3d: {  	_ =	shalt  }
0x3e: {  	_ =	shalt  }
0x3f: {  	_ =	shalt  }
0x40: {  	_ =	shalt  }
0x41: {  	_ =	shalt  }
0x42: {  	_ =	shalt  }
0x43: {  	_ =	shalt  }
0x44: {  	_ =	shalt  }
0x45: {  	_ =	shalt  }
0x46: {  	_ =	shalt  }
0x47: {  	_ =	shalt  }
0x48: {  	_ =	shalt  }
0x49: {  	_ =	shalt  }
0x4a: {  	_ =	shalt  }
0x4b: {  	_ =	shalt  }
0x4c: {  	_ =	shalt  }
0x4d: {  	_ =	shalt  }
0x4e: {  	_ =	shalt  }
0x4f: {  	_ =	shalt  }
0x50: {  	_ =	shalt  }
0x51: {  	_ =	shalt  }
0x52: {  	_ =	shalt  }
0x53: {  	_ =	shalt  }
0x54: {  	_ =	shalt  }
0x55: {  	_ =	shalt  }
0x56: {  	_ =	shalt  }
0x57: {  	_ =	shalt  }
0x58: {  	_ =	shalt  }
0x59: {  	_ =	shalt  }
0x5a: {  	_ =	shalt  }
0x5b: {  	_ =	shalt  }
0x5c: {  	_ =	shalt  }
0x5d: {  	_ =	shalt  }
0x5e: {  	_ =	shalt  }
0x5f: {  	_ =	shalt  }
0x60: {  	_ =	shalt  }
0x61: {  	_ =	shalt  }
0x62: {  	_ =	shalt  }
0x63: {  	_ =	shalt  }
0x64: {  	_ =	shalt  }
0x65: {  	_ =	shalt  }
0x66: {  	_ =	shalt  }
0x67: {  	_ =	shalt  }
0x68: {  	_ =	shalt  }
0x69: {  	_ =	shalt  }
0x6a: {  	_ =	shalt  }
0x6b: {  	_ =	shalt  }
0x6c: {  	_ =	shalt  }
0x6d: {  	_ =	shalt  }
0x6e: {  	_ =	shalt  }
0x6f: {  	_ =	shalt  }
0x70: {  	_ =	shalt  }
0x71: {  	_ =	shalt  }
0x72: {  	_ =	shalt  }
0x73: {  	_ =	shalt  }
0x74: {  	_ =	shalt  }
0x75: {  	_ =	shalt  }
0x76: {  	_ =	shalt  }
0x77: {  	_ =	shalt  }
0x78: {  	_ =	shalt  }
0x79: {  	_ =	shalt  }
0x7a: {  	_ =	shalt  }
0x7b: {  	_ =	shalt  }
0x7c: {  	_ =	shalt  }
0x7d: {  	_ =	shalt  }
0x7e: {  	_ =	shalt  }
0x7f: {  	_ =	shalt  }
0x80: {  	_ =	shalt  }
0x81: {  	_ =	shalt  }
0x82: {  	_ =	shalt  }
0x83: {  	_ =	shalt  }
0x84: {  	_ =	shalt  }
0x85: {  	_ =	shalt  }
0x86: {  	_ =	shalt  }
0x87: {  	_ =	shalt  }
.Lfunc_end0:
.L_simem_size_0:
called_computation_lowered:
.L_overlay_start_0:
0x88: {  	s2 =	sld [smem:$0x3FD9]  }
0x89: {  	s3 =	sld [smem:$0x3FFE];
	_ =	sdelay $0x1  }
0x8a: {  	s1 =	srdreg.scid  }
0x8b: {  	s0 =	sand.u32 $0x1, s1  }
0x8c: {  	s17 =	sshll.u32 s0, $0xA;
	s2 =	sadd.s32 s3, s2  }
0x8d: {  	s2 =	sadd.s32 s2, s17  }
0x8e: {  	[smem:$0x3FC5] =	sst s2  }
0x8f: {  	_ = 	snop  }
0x90: {  	s2 =	sld [smem:$0x3FC9]  }
0x91: {  	s18 =	sld [smem:$0x3FC8]  }
0x92: {  	s4 =	sld [smem:$0x3FD0];
	(tm) =	ssettm $0x1  }
0x93: {  	s5 =	sld [smem:$0x3FFB];
	_ =	sdelay $0x3  }
0x94: {  	_ =	strace s5  }
0x95: {  	s5 =	sld [smem:$0x3FFC];
	_ =	sdelay $0x3  }
0x96: {  	_ =	strace s5  }
0x97: {  	s5 =	sld [smem:$0x3FFD];
	_ =	sdelay $0x3  }
0x98: {  	_ =	strace s5  }
0x99: {  	_ =	strace $0x8FFFFFFF  }
0x9a: {  	s19 =	sld [smem:$0x3FDB];
	_ =	sdelay $0x1  }
0x9b: {  	s6 =	simm.s32 $_scs_section_size  }
0x9c: {  	s7 =	simm.s32 $_size__tile_overlayer_lowered;
	s8 =	simm.s32 $_tile_overlayer_lowered  }
0x9d: {  	s22 =	simm.s32 $0x1BFF;
	s21 =	sshll.u32 s8, $0x1;
	s5 =	sadd.s32 s6, s19  }
0x9e: {  	s9 =	simm.s32 $0x0;
	s20 =	sshll.u32 s7, $0x1;
	s7 =	sadd.s32 s21, s5  }
0x9f: {  	[timem:s9], [sflag:s22] =	dma.local [hbm:s7], s20  }
0xa0: {  	_ =	swait.ge [sflag:s22], s20  }
0xa1: {  	s6 =	ssub.s32 $0x0, s20;
	[sflag:s22] =	ssyncset.done $0x0  }
0xa2: {  	[sflag:s22] =	ssyncadd.s32 s6;
	_ =	sdelay $0x1  }
0xa3: {  	s23 =	simm.s32 $0x1B8B  }
0xa4: {  	_ =	swait.ge [sflag:s23], $0x1  }
0xa5: {  	[sflag:s23] =	ssyncset.done $0x0  }
0xa6: {  	s25 =	simm.s32 $0x1B8E;
	s24 =	sld [smem:$0x3FFE];
	[sflag:s23] =	ssyncadd.s32 $0xFFFFFFFF  }
0xa7: {  	s26 =	simm.s32 $execute0_lowered;
	[smem:$0x3FD2] =	sst s25  }
0xa8: {  	s7 =	sshll.u32 s26, $0x1;
	_ =	strace $0x80000046;
	[dreg:$0x1] =	wrdreg $0xFFFFFFFF  }
0xa9: {  	s28 =	simm.s32 $_size_execute0_lowered;
	s5 =	sadd.s32 s5, s7;
	[dreg:$0x0] =	wrdreg $0x0  }
0xaa: {  	s7 =	sshll.u32 s28, $0x1;
	[dreg:$0x2] =	wrdreg s5  }
0xab: {  	[dreg:$0x3] =	wrdreg s7  }
0xac: {  	[dreg:$0x4] =	wrdreg $0xC0  }
0xad: {  	_ =	task [dreg:s9], $0x5FFFF  }
0xae: {  	[dreg:$0x1] =	wrdreg $0xFFFFFFFF  }
0xaf: {  	[dreg:$0x0] =	wrdreg $0x60  }
0xb0: {  	[dreg:$0x2] =	wrdreg s2  }
0xb1: {  	[dreg:$0x3] =	wrdreg s18  }
0xb2: {  	[dreg:$0x4] =	wrdreg s24  }
0xb3: {  	[dreg:$0x5] =	wrdreg s4  }
0xb4: {  	[dreg:$0x6] =	wrdreg $0x9  }
0xb5: {  	_ =	task.clear_ibuf [dreg:s9], $0x7FFFF;
	_ =	strace $0x90000046  }
0xb6: {  	s29 =	simm.s32 $0x9;
	_ =	strace $0x80000048  }
0xb7: {  	_ =	swait.ge [sflag:s29], $0x1  }
0xb8: {  	[sflag:s29] =	ssyncadd.s32 $0xFFFFFFFF  }
0xb9: {  	_ =	strace $0x90000048  }
0xba: {  	_ =	sfence  }
0xbb: {  	s30 =	sld [smem:$0x0];
	_ =	sdelay $0x2  }
0xbc: {  	s31 =	sshll.u32 s1, $0xD;
	s1 =	sshrl.u32 s1, $0x2  }
0xbd: {  	s3 =	sand.u32 $0x4000, s31;
	s1 =	sadd.s32 s1, s30  }
0xbe: {  	s0 =	sor.u32 s3, s0;
	s1 =	sshll.u32 s1, $0x11  }
0xbf: {  	s0 =	sor.u32 s1, s0  }
0xc0: {  	s0 =	sadd.s32 $0x8F2B, s0  }
0xc1: {  	[sflag:s0] =	ssyncadd.remote.s32 $0x1  }
0xc2: {  	_ =	sfence.sel $0xFFFF  }
0xc3: {  	[dreg:$0x0] =	wrdreg $0xFFFFFFFF;
	(pc) =	sbr.abs _section_cstart, $3  }
0xc4: {  	[dreg:$0x1] =	wrdreg $0xFFFFFFFF  }
0xc5: {  	_ =	task.clear_ibuf [dreg:s9], $0x2FFFF;
	_ =	strace $0x9FFFFFFF  }
0xc6: {  	(tm) =	ssettm $0x7FFFFFFF  }
0xc7: {  	_ =	shalt  }
tec
execute0_lowered:
.L_overlay_start_1:
0x0: {  	(tag) =	ssettag $0x1  }
0x1: {  	s0 =	rddreg [dreg:$0x0]  }
0x2: {  	s1 =	rddreg [dreg:$0x2]  }
0x3: {  	s2 =	rddreg [dreg:$0x3];
	s4 =	simm.s32 $0x0;
	s7 =	stileid.u32  }
0x4: {  	s3 =	srdreg.scid;
	s9 =	simm.s32 $0x9;
	s11 =	simm.s32 $0x200  }
0x5: {  	s12 =	simm.s32 $0x400;
	s13 =	simm.s32 $0x3000;
	s14 =	simm.s32 $0x1  }
0x6: {  	s15 =	simm.s32 $0x7000;
	s16 =	simm.s32 $0x2;
	s17 =	simm.s32 $0xB000  }
0x7: {  	s18 =	simm.s32 $0x3;
	s19 =	simm.s32 $0xF000;
	s20 =	simm.s32 $0x4  }
0x8: {  	s21 =	simm.s32 $0x5;
	s22 =	simm.s32 $0x6;
	s23 =	simm.s32 $0x7  }
0x9: {  	s24 =	simm.s32 $0x8;
	s25 =	simm.s32 $0x0;
	[smem:$0x7FF] =	sst s4  }
0xa: {  	s26 =	sshll.u32 s7, $0x7;
	s3 =	sand.u32 $0x1, s3;
	s8 =	sshll.u32 s7, $0x13  }
0xb: {  	_ =	strace $0x80000047;
	s4 =	sand.u32 $0x600, s26;
	s5 =	ssub.s32 $0x2, s3  }
.Ltmp0:
0xc: {  	s3 =	sshll.u32 s3, $0x12;
	s31 =	sadd.s32 s8, s2;
	(pc) =	sbr.rel .LBB2_1-.Ltmp0, $4  }
0xd: {  	s6 =	sshrl.u32 s5, $0x1;
	s1 =	sadd.s32 s4, s1;
	s29 =	sor.u32 s3, s8  }
0xe: {  	s28 =	ssub.s32 s5, s6;
	s1 =	sadd.s32 $0x400, s1;
	s30 =	sadd.s32 s0, s29  }
0xf: {  	s0 =	sadd.s32 s8, s0;
	s8 =	sadd.s32 s3, s31;
	[dreg:$0x5] =	wrdreg s1  }
0x10: {  	[dreg:$0x6] =	wrdreg s30;
	s6 =	smax.u32 s28, $0x1;
	s7 =	sadd.s32 s3, s0  }
.LBB2_8:
0x11: {  	_ =	swait.ge [sflag:s22], $0x4000  }
0x12: {  	[sflag:s22] =	ssyncset.done $0x0  }
0x13: {  	s25 =	sadd.s32 $0x1, s25;
	[sflag:s22] =	ssyncadd.s32 $0xFFFFC000  }
0x14: {  	p0 =	sne.s32 s25, s6;
	_ =	swait.ge [sflag:s23], $0x4000  }
.Ltmp1:
0x15: {  	[sflag:s23] =	ssyncset.done $0x0;
	(pc) =	sbr.rel @!p0 .LBB2_9-.Ltmp1, $4  }
0x16: {  	[sflag:s23] =	ssyncadd.s32 $0xFFFFC000  }
0x17: {  	_ =	swait.ge [sflag:s24], $0x4000  }
0x18: {  	[sflag:s24] =	ssyncset.done $0x0  }
0x19: {  	[sflag:s24] =	ssyncadd.s32 $0xFFFFC000  }
.LBB2_1:
0x1a: {  	s0 =	rddreg [dreg:$0x1];
	s1 =	simm.s32 $0x0  }
0x1b: {  	[tilespmem:s1], [sflag:$0x9] =	stream.linear.gather [hbm4b:s0+s1], $0x1000, $0x38;
	[tilespmem:$0x13000] =	vst v63  }
0x1c: {  	_ =	swait.ge [sflag:s9], $0x1000  }
0x1d: {  	[sflag:s9] =	ssyncset.done $0x0  }
0x1e: {  	s2 =	simm.s32 $0x1000;
	s10 =	rddreg [dreg:$0x5];
	[sflag:s9] =	ssyncadd.s32 $0xFFFFF000  }
0x1f: {  	[tilespmem:s2], [sflag:$0x9] =	stream.linear.gather [hbm4b:s10+s1], $0x1000, $0x38;
	[tilespmem:$0x13000] =	vst v63  }
0x20: {  	_ =	swait.ge [sflag:s9], $0x1000  }
0x21: {  	[sflag:s9] =	ssyncset.done $0x0  }
0x22: {  	s26 =	simm.s32 $0x0;
	[sflag:s9] =	ssyncadd.s32 $0xFFFFF000  }
0x23: {  	v0 =	vld [tilespmem:s26+$0x0];
	_ =	sdelay $0x1  }
0x24: {  	s28 =	simm.s32 $0x10  }
0x25: {  	v1 =	vld [tilespmem:s28+$0x0];
	_ =	sdelay $0x1  }
0x26: {  	v0 =	vmul.f32 $-5.000000000e+00, v0;
	_ =	sdelay $0x1  }
0x27: {  	v0 =	vadd.f32 $0.0e+00, v0  }
0x28: {  	v1 =	vmul.f32 $-5.000000000e+00, v1  }
0x29: {  	v0 =	vmul.f32 $1.442695020e+00, v0  }
0x2a: {  	s29 =	simm.s32 $0x20;
	v1 =	vadd.f32 $0.0e+00, v1  }
0x2b: {  	(erf) = vpow2.f32 v0;
	v0 =	vld [tilespmem:s29+$0x0]  }
0x2c: {  	v1 =	vmul.f32 $1.442695020e+00, v1;
	_ =	sdelay $0x1  }
0x2d: {  	(erf) = vpow2.f32 v1  }
0x2e: {  	s30 =	simm.s32 $0x30  }
0x2f: {  	v1 =	vld [tilespmem:s30+$0x0];
	v0 =	vmul.f32 $-5.000000000e+00, v0;
	_ =	sdelay $0x1  }
0x30: {  	v0 =	vadd.f32 $0.0e+00, v0;
	_ =	sdelay $0x1  }
0x31: {  	v2 =	vpop (erf);
	v3 =	vmul.f32 $1.442695020e+00, v0  }
0x32: {  	v1 =	vmul.f32 $-5.000000000e+00, v1;
	v2 =	vadd.f32 $1.000000000e+00, v2  }
0x33: {  	s31 =	simm.s32 $0x40;
	(erf) = vpow2.f32 v3  }
0x34: {  	v4 =	vadd.f32 $0.0e+00, v1;
	v1 =	vld [tilespmem:s31+$0x0];
	v5 =	vpop (erf);
	(erf) = vrcp.f32 v2;
	_ =	sdelay $0x2  }
0x35: {  	v3 =	vmul.f32 $1.442695020e+00, v4  }
0x36: {  	s0 =	simm.s32 $0x140;
	v0 =	vimm.f32 $0.0e+00;
	v2 =	vadd.f32 $1.000000000e+00, v5  }
.LBB2_2:
0x37: {  	s1 =	sshra.s32 s0, $0x2;
	v5 =	vmul.f32 $-5.000000000e+00, v1;
	(erf) = vpow2.f32 v3;
	p0 =	sne.s32 s0, $0x3FC0  }
.Ltmp2:
0x38: {  	s0 =	sadd.s32 $0x40, s0;
	v1 =	vld [tilespmem:s1+$0x0];
	(erf) = vrcp.f32 v2;
	(pc) =	sbr.rel @p0 .LBB2_2-.Ltmp2, $4  }
0x39: {  	v2 =	vadd.f32 $0.0e+00, v5  }
0x3a: {  	v4 =	vpop (erf)  }
0x3b: {  	v3 =	vmul.f32 $1.442695020e+00, v2;
	v5 =	vpop (erf)  }
0x3c: {  	v2 =	vadd.f32 $1.000000000e+00, v4;
	v0 =	vadd.f32 v5, v0  }
0x3d: {  	v1 =	vmul.f32 $-5.000000000e+00, v1;
	_ =	sdelay $0x1  }
0x3e: {  	v1 =	vadd.f32 $0.0e+00, v1;
	_ =	sdelay $0x1  }
0x3f: {  	(erf) = vpow2.f32 v3;
	v1 =	vmul.f32 $1.442695020e+00, v1  }
0x40: {  	(erf) = vrcp.f32 v2  }
0x41: {  	(erf) = vpow2.f32 v1;
	_ =	sdelay $0x2  }
0x42: {  	v1 =	vpop (erf)  }
0x43: {  	v1 =	vadd.f32 $1.000000000e+00, v1;
	_ =	sdelay $0x1  }
0x44: {  	v2 =	vpop (erf)  }
0x45: {  	v3 =	vpop (erf)  }
0x46: {  	(erf) = vrcp.f32 v1;
	v3 =	vadd.f32 $1.000000000e+00, v3;
	v1 =	vpop (erf)  }
0x47: {  	v4 =	vpop (erf)  }
0x48: {  	(erf) = vrcp.f32 v3;
	v3 =	vadd.f32 $1.000000000e+00, v4;
	_ =	sdelay $0x1  }
0x49: {  	(erf) = vrcp.f32 v3;
	_ =	sdelay $0x1  }
0x4a: {  	v0 =	vadd.f32 v2, v0;
	_ =	sdelay $0x1  }
0x4b: {  	v0 =	vadd.f32 v1, v0  }
0x4c: {  	v1 =	vpop (erf)  }
0x4d: {  	v0 =	vadd.f32 v1, v0  }
0x4e: {  	v1 =	vpop (erf)  }
0x4f: {  	v0 =	vadd.f32 v1, v0  }
0x50: {  	v1 =	vpop (erf)  }
0x51: {  	v0 =	vadd.f32 v1, v0;
	_ =	sdelay $0x1  }
0x52: {  	(v2sf) =	vpush v0, $0x0  }
0x53: {  	(v2sf) =	vpush v0, $0x1;
	_ =	sdelay $0x1  }
0x54: {  	(v2sf) =	vpush v0, $0x2;
	_ =	sdelay $0x1  }
0x55: {  	(v2sf) =	vpush v0, $0x3;
	_ =	sdelay $0x1  }
0x56: {  	(v2sf) =	vpush v0, $0x4;
	_ =	sdelay $0x1  }
0x57: {  	(v2sf) =	vpush v0, $0x5;
	_ =	sdelay $0x1  }
0x58: {  	(v2sf) =	vpush v0, $0x6;
	_ =	sdelay $0x1  }
0x59: {  	(v2sf) =	vpush v0, $0x7;
	_ =	sdelay $0x1  }
0x5a: {  	s0 =	spop (v2sf);
	(v2sf) =	vpush v0, $0x8  }
0x5b: {  	s1 =	spop (v2sf)  }
0x5c: {  	(v2sf) =	vpush v0, $0x9;
	s0 =	sadd.f32 s1, s0  }
0x5d: {  	s26 =	spop (v2sf)  }
0x5e: {  	(v2sf) =	vpush v0, $0xA;
	s0 =	sadd.f32 s0, s26  }
0x5f: {  	s2 =	spop (v2sf)  }
0x60: {  	(v2sf) =	vpush v0, $0xB;
	s0 =	sadd.f32 s0, s2  }
0x61: {  	s3 =	spop (v2sf)  }
0x62: {  	(v2sf) =	vpush v0, $0xC;
	s0 =	sadd.f32 s0, s3  }
0x63: {  	s4 =	spop (v2sf)  }
0x64: {  	(v2sf) =	vpush v0, $0xD;
	s0 =	sadd.f32 s0, s4  }
0x65: {  	s5 =	spop (v2sf)  }
0x66: {  	(v2sf) =	vpush v0, $0xE;
	s0 =	sadd.f32 s0, s5  }
0x67: {  	s10 =	spop (v2sf)  }
0x68: {  	(v2sf) =	vpush v0, $0xF;
	s0 =	sadd.f32 s0, s10  }
0x69: {  	s26 =	spop (v2sf)  }
0x6a: {  	s0 =	sadd.f32 s0, s26  }
0x6b: {  	s2 =	spop (v2sf)  }
0x6c: {  	s0 =	sadd.f32 s0, s2  }
0x6d: {  	s3 =	spop (v2sf)  }
0x6e: {  	s0 =	sadd.f32 s0, s3  }
0x6f: {  	s4 =	spop (v2sf)  }
0x70: {  	s0 =	sadd.f32 s0, s4  }
0x71: {  	s5 =	spop (v2sf)  }
0x72: {  	s0 =	sadd.f32 s0, s5  }
0x73: {  	s10 =	spop (v2sf)  }
0x74: {  	s1 =	sadd.f32 s0, s10;
	s0 =	simm.s32 $0x0  }
0x75: {  	s2 =	spop (v2sf);
	v0 =	vld [tilespmem:s0+$0x0]  }
0x76: {  	s1 =	sadd.f32 s1, s2  }
0x77: {  	s26 =	spop (v2sf)  }
0x78: {  	s1 =	sadd.f32 s1, s26;
	_ =	sdelay $0x1  }
0x79: {  	s2 =	simm.s32 $0x10;
	s1 =	smul.f32 $2.441406250e-04, s1;
	v0 =	vmul.f32 $-5.000000000e+00, v0  }
0x7a: {  	v2 =	vld [tilespmem:s2+$0x0]  }
0x7b: {  	v1 =	vmov s1;
	v0 =	vadd.f32 $0.0e+00, v0  }
0x7c: {  	v3 =	vsub.f32 $1.000000000e+00, v1  }
0x7d: {  	(erf) = vrcp.f32 v1;
	v0 =	vmul.f32 $1.442695020e+00, v0  }
0x7e: {  	(erf) = vrcp.f32 v3  }
0x7f: {  	(erf) = vpow2.f32 v0;
	v0 =	vmul.f32 $-5.000000000e+00, v2;
	_ =	sdelay $0x1  }
0x80: {  	s29 =	simm.s32 $0x20;
	v0 =	vadd.f32 $0.0e+00, v0  }
0x81: {  	v1 =	vld [tilespmem:s29+$0x0]  }
0x82: {  	v0 =	vmul.f32 $1.442695020e+00, v0;
	_ =	sdelay $0x2  }
0x83: {  	v2 =	vpop (erf);
	(erf) = vpow2.f32 v0  }
0x84: {  	v1 =	vmul.f32 $-5.000000000e+00, v1;
	v0 =	vpop (erf)  }
0x85: {  	s28 =	simm.s32 $0x30;
	v3 =	vpop (erf)  }
0x86: {  	v4 =	vld [tilespmem:s28+$0x0];
	v1 =	vadd.f32 $0.0e+00, v1;
	v3 =	vadd.f32 $1.000000000e+00, v3;
	_ =	sdelay $0x1  }
0x87: {  	p0 =	sgt.f32 s1, $2.500000000e-01;
	v1 =	vmul.f32 $1.442695020e+00, v1;
	(erf) = vrcp.f32 v3  }
0x88: {  	s1 =	simm.f32 $1.000000000e+00  }
0x89: {  	s1 =	simm.s32 @!p0 $0x0;
	(erf) = vpow2.f32 v1  }
0x8a: {  	s26 =	simm.s32 $0x40;
	s3 =	ssub.f32 $1.000000000e+00, s1;
	v3 =	vmul.f32 $7.500000000e-01, v0;
	v1 =	vmul.f32 $-5.000000000e+00, v4  }
0x8b: {  	v2 =	vmul.f32 $2.500000000e-01, v2;
	v4 =	vld [tilespmem:s26+$0x0];
	v0 =	vpop (erf)  }
0x8c: {  	v5 =	vmul.f32 s3, v3;
	v1 =	vadd.f32 $0.0e+00, v1;
	v0 =	vadd.f32 $1.000000000e+00, v0  }
0x8d: {  	v2 =	vmul.f32 s1, v2  }
0x8e: {  	v1 =	vmul.f32 $1.442695020e+00, v1;
	(erf) = vrcp.f32 v0  }
0x8f: {  	v0 =	vadd.f32 v5, v2;
	v2 =	vsub.f32 $1.000000000e+00, v3  }
0x90: {  	s30 =	simm.s32 $0x50;
	v3 =	vmul.f32 $-5.000000000e+00, v4;
	v4 =	vld [tilespmem:s0+$0x1000];
	(erf) = vpow2.f32 v1;
	v5 =	vpop (erf)  }
0x91: {  	v6 =	vld [tilespmem:s30+$0x0];
	v1 =	vmul.f32 s3, v2;
	v2 =	vmul.f32 v5, v0  }
0x92: {  	v3 =	vadd.f32 $0.0e+00, v3;
	v5 =	vpop (erf)  }
0x93: {  	v5 =	vadd.f32 $1.000000000e+00, v5;
	v2 =	vadd.f32 v2, v1;
	_ =	sdelay $0x1  }
0x94: {  	v3 =	vmul.f32 $1.442695020e+00, v3;
	(erf) = vrcp.f32 v5;
	v2 =	vsub.f32 v2, v4  }
0x95: {  	v6 =	vmul.f32 $-5.000000000e+00, v6  }
0x96: {  	s31 =	simm.s32 $0x60;
	(erf) = vpow2.f32 v3;
	v3 =	vld [tilespmem:s2+$0x1000];
	v4 =	vpop (erf);
	v2 =	vmul.f32 $-1.200000000e+01, v2  }
0x97: {  	v5 =	vld [tilespmem:s31+$0x0];
	v4 =	vmul.f32 v4, v0  }
0x98: {  	v6 =	vadd.f32 $0.0e+00, v6;
	v7 =	vpop (erf);
	v2 =	vadd.f32 $0.0e+00, v2  }
0x99: {  	v7 =	vadd.f32 $1.000000000e+00, v7;
	v4 =	vadd.f32 v4, v1  }
0x9a: {  	v2 =	vmul.f32 $1.442695020e+00, v2  }
0x9b: {  	(erf) = vrcp.f32 v7;
	v3 =	vsub.f32 v4, v3;
	v4 =	vmul.f32 $1.442695020e+00, v6  }
0x9c: {  	v5 =	vmul.f32 $-5.000000000e+00, v5;
	(erf) = vpow2.f32 v2  }
0x9d: {  	s1 =	simm.s32 $0x70;
	v2 =	vld [tilespmem:s29+$0x1000];
	v6 =	vpop (erf);
	v3 =	vmul.f32 $-1.200000000e+01, v3;
	(erf) = vpow2.f32 v4  }
0x9e: {  	v5 =	vadd.f32 $0.0e+00, v5;
	v4 =	vld [tilespmem:s1+$0x0];
	v6 =	vmul.f32 v6, v0  }
0x9f: {  	v7 =	vpop (erf);
	v3 =	vadd.f32 $0.0e+00, v3  }
0xa0: {  	v5 =	vmul.f32 $1.442695020e+00, v5;
	v7 =	vadd.f32 $1.000000000e+00, v7;
	v6 =	vadd.f32 v6, v1  }
0xa1: {  	v3 =	vmul.f32 $1.442695020e+00, v3  }
0xa2: {  	(erf) = vrcp.f32 v7;
	v2 =	vsub.f32 v6, v2  }
0xa3: {  	v4 =	vmul.f32 $-5.000000000e+00, v4;
	(erf) = vpow2.f32 v3  }
0xa4: {  	s10 =	simm.s32 $0x80;
	v3 =	vld [tilespmem:s28+$0x1000];
	(erf) = vpow2.f32 v5;
	v5 =	vpop (erf);
	v2 =	vmul.f32 $-1.200000000e+01, v2  }
0xa5: {  	v6 =	vld [tilespmem:s10+$0x0];
	v5 =	vmul.f32 v5, v0;
	v4 =	vadd.f32 $0.0e+00, v4;
	v7 =	vpop (erf)  }
0xa6: {  	v2 =	vadd.f32 $0.0e+00, v2;
	v8 =	vpop (erf);
	v7 =	vadd.f32 $1.000000000e+00, v7  }
0xa7: {  	v5 =	vadd.f32 v5, v1;
	v8 =	vadd.f32 $1.000000000e+00, v8  }
0xa8: {  	v2 =	vmul.f32 $1.442695020e+00, v2;
	(erf) = vrcp.f32 v7  }
0xa9: {  	v4 =	vmul.f32 $1.442695020e+00, v4;
	v3 =	vsub.f32 v5, v3;
	(erf) = vrcp.f32 v8  }
0xaa: {  	v5 =	vmul.f32 $-5.000000000e+00, v6;
	(erf) = vpow2.f32 v2  }
0xab: {  	s3 =	simm.s32 $0x90;
	v6 =	vpop (erf);
	v7 =	vmul.f32 $-1.200000000e+01, v3;
	v2 =	vld [tilespmem:s26+$0x1000];
	(erf) = vpow2.f32 v4  }
0xac: {  	v3 =	vld [tilespmem:s3+$0x0];
	v4 =	vadd.f32 $0.0e+00, v5;
	v9 =	vpop (erf);
	v5 =	vmul.f32 v6, v0  }
0xad: {  	s4 =	simm.s32 $0x280;
	v8 =	vpop (erf);
	v7 =	vadd.f32 $0.0e+00, v7;
	v6 =	vadd.f32 $1.000000000e+00, v9  }
.LBB2_4:
0xae: {  	p0 =	sne.s32 s4, $0x3FC0;
	v8 =	vadd.f32 $1.000000000e+00, v8;
	v5 =	vadd.f32 v5, v1;
	s5 =	smov.u32 s1;
	s1 =	smov.u32 s10  }
0xaf: {  	s10 =	smov.u32 s3;
	v9 =	vmul.f32 $1.442695020e+00, v7;
	(erf) = vrcp.f32 v6  }
.Ltmp3:
0xb0: {  	v4 =	vmul.f32 $1.442695020e+00, v4;
	(erf) = vrcp.f32 v8;
	v5 =	vsub.f32 v5, v2;
	(pc) =	sbr.rel @p0 .LBB2_4-.Ltmp3, $4  }
0xb1: {  	v10 =	vmul.f32 $-5.000000000e+00, v3;
	(erf) = vpow2.f32 v9;
	v3 =	vpop (erf)  }
0xb2: {  	s3 =	sshra.s32 s4, $0x2;
	(erf) = vpow2.f32 v4;
	v2 =	vld [tilespmem:s30+$0x1000];
	v7 =	vpop (erf);
	v9 =	vmul.f32 $-1.200000000e+01, v5;
	[tilespmem:s0+$0x2000] =	vst v3;
	s0 =	smov.u32 s2;
	s2 =	smov.u32 s29  }
0xb3: {  	s29 =	smov.u32 s28;
	s28 =	smov.u32 s26;
	s26 =	smov.u32 s30;
	v3 =	vld [tilespmem:s3+$0x0];
	v4 =	vadd.f32 $0.0e+00, v10;
	v5 =	vmul.f32 v7, v0;
	v6 =	vpop (erf)  }
0xb4: {  	s4 =	sadd.s32 $0x40, s4;
	s30 =	smov.u32 s31;
	s31 =	smov.u32 s5;
	v8 =	vpop (erf);
	v7 =	vadd.f32 $0.0e+00, v9;
	v6 =	vadd.f32 $1.000000000e+00, v6  }
0xb5: {  	v5 =	vadd.f32 v5, v1;
	_ =	sdelay $0x1  }
0xb6: {  	v8 =	vadd.f32 $1.000000000e+00, v8;
	v4 =	vmul.f32 $1.442695020e+00, v4;
	v2 =	vsub.f32 v5, v2  }
0xb7: {  	v7 =	vmul.f32 $1.442695020e+00, v7;
	(erf) = vrcp.f32 v6;
	v27 =	vpop (erf)  }
0xb8: {  	(erf) = vrcp.f32 v8;
	v28 =	vpop (erf);
	v2 =	vmul.f32 $-1.200000000e+01, v2  }
0xb9: {  	v3 =	vmul.f32 $-5.000000000e+00, v3;
	(erf) = vpow2.f32 v7;
	v29 =	vpop (erf)  }
0xba: {  	v30 =	vld [tilespmem:s30+$0x1000];
	(erf) = vpow2.f32 v4;
	v31 =	vpop (erf);
	v2 =	vadd.f32 $0.0e+00, v2;
	v7 =	vadd.f32 $1.000000000e+00, v29  }
0xbb: {  	v3 =	vadd.f32 $0.0e+00, v3;
	v6 =	vmul.f32 v28, v0;
	v8 =	vadd.f32 $1.000000000e+00, v31  }
0xbc: {  	v2 =	vmul.f32 $1.442695020e+00, v2;
	(erf) = vrcp.f32 v7  }
0xbd: {  	v6 =	vadd.f32 v6, v1;
	v3 =	vmul.f32 $1.442695020e+00, v3;
	(erf) = vrcp.f32 v8  }
0xbe: {  	(erf) = vpow2.f32 v2  }
0xbf: {  	v32 =	vsub.f32 v6, v30;
	(erf) = vpow2.f32 v3  }
0xc0: {  	v33 =	vpop (erf)  }
0xc1: {  	v2 =	vmul.f32 $-1.200000000e+01, v32;
	v34 =	vpop (erf)  }
0xc2: {  	v35 =	vpop (erf)  }
0xc3: {  	v2 =	vadd.f32 $0.0e+00, v2;
	v36 =	vpop (erf);
	v6 =	vadd.f32 $1.000000000e+00, v35  }
0xc4: {  	[tilespmem:s0+$0x2000] =	vst v27;
	v37 =	vadd.f32 $1.000000000e+00, v36  }
0xc5: {  	v38 =	vld [tilespmem:s31+$0x1000];
	v2 =	vmul.f32 $1.442695020e+00, v2;
	(erf) = vrcp.f32 v6;
	v39 =	vpop (erf)  }
0xc6: {  	[tilespmem:s2+$0x2000] =	vst v33;
	v40 =	vmul.f32 v34, v0;
	(erf) = vrcp.f32 v37;
	v41 =	vpop (erf)  }
0xc7: {  	v42 =	vld [tilespmem:s1+$0x1000];
	(erf) = vpow2.f32 v2;
	v43 =	vpop (erf)  }
0xc8: {  	v3 =	vadd.f32 v40, v1;
	v4 =	vmul.f32 v41, v0;
	v44 =	vpop (erf);
	v5 =	vadd.f32 $1.000000000e+00, v43  }
0xc9: {  	v8 =	vadd.f32 $1.000000000e+00, v44  }
0xca: {  	v3 =	vsub.f32 v3, v38;
	v4 =	vadd.f32 v4, v1;
	(erf) = vrcp.f32 v5  }
0xcb: {  	(erf) = vrcp.f32 v8  }
0xcc: {  	v3 =	vmul.f32 $-1.200000000e+01, v3;
	v2 =	vsub.f32 v4, v42;
	_ =	sdelay $0x1  }
0xcd: {  	v3 =	vadd.f32 $0.0e+00, v3;
	v45 =	vpop (erf);
	v2 =	vmul.f32 $-1.200000000e+01, v2  }
0xce: {  	v46 =	vpop (erf)  }
0xcf: {  	v3 =	vmul.f32 $1.442695020e+00, v3;
	v47 =	vpop (erf);
	v2 =	vadd.f32 $0.0e+00, v2  }
0xd0: {  	[tilespmem:s29+$0x2000] =	vst v39;
	v48 =	vadd.f32 $1.000000000e+00, v47  }
0xd1: {  	v49 =	vld [tilespmem:s10+$0x1000];
	(erf) = vpow2.f32 v3;
	v2 =	vmul.f32 $1.442695020e+00, v2  }
0xd2: {  	[tilespmem:s28+$0x2000] =	vst v45;
	v50 =	vmul.f32 v46, v0;
	(erf) = vrcp.f32 v48;
	v51 =	vpop (erf)  }
0xd3: {  	v52 =	vld [tilespmem:s3+$0x1000];
	(erf) = vpow2.f32 v2;
	v53 =	vpop (erf)  }
0xd4: {  	v4 =	vadd.f32 v50, v1;
	v54 =	vmul.f32 v53, v0;
	_ =	sdelay $0x1  }
0xd5: {  	v3 =	vsub.f32 v4, v49;
	v0 =	vadd.f32 v54, v1;
	_ =	sdelay $0x1  }
0xd6: {  	v55 =	vmul.f32 $-1.200000000e+01, v3;
	v0 =	vsub.f32 v0, v52;
	_ =	sdelay $0x1  }
0xd7: {  	v56 =	vpop (erf);
	v1 =	vadd.f32 $0.0e+00, v55;
	v0 =	vmul.f32 $-1.200000000e+01, v0  }
0xd8: {  	v2 =	vadd.f32 $1.000000000e+00, v56;
	v57 =	vpop (erf)  }
0xd9: {  	v1 =	vmul.f32 $1.442695020e+00, v1;
	v58 =	vpop (erf);
	v0 =	vadd.f32 $0.0e+00, v0  }
0xda: {  	(erf) = vrcp.f32 v2;
	v59 =	vadd.f32 $1.000000000e+00, v58  }
0xdb: {  	(erf) = vpow2.f32 v1;
	v0 =	vmul.f32 $1.442695020e+00, v0  }
0xdc: {  	(erf) = vrcp.f32 v59  }
0xdd: {  	(erf) = vpow2.f32 v0;
	_ =	sdelay $0x5  }
0xde: {  	v60 =	vpop (erf)  }
0xdf: {  	v1 =	vpop (erf)  }
0xe0: {  	v2 =	vpop (erf)  }
0xe1: {  	v1 =	vadd.f32 $1.000000000e+00, v1;
	v61 =	vpop (erf)  }
0xe2: {  	v4 =	vadd.f32 $1.000000000e+00, v61  }
0xe3: {  	(erf) = vrcp.f32 v1  }
0xe4: {  	(erf) = vrcp.f32 v4;
	_ =	sdelay $0x4  }
0xe5: {  	[tilespmem:s26+$0x2000] =	vst v51  }
0xe6: {  	[tilespmem:s30+$0x2000] =	vst v57  }
0xe7: {  	[tilespmem:s31+$0x2000] =	vst v60  }
0xe8: {  	[tilespmem:s1+$0x2000] =	vst v2;
	v62 =	vpop (erf)  }
0xe9: {  	[tilespmem:s10+$0x2000] =	vst v62;
	v63 =	vpop (erf)  }
0xea: {  	s0 =	simm.s32 $0x0;
	s31 =	rddreg [dreg:$0x6];
	[tilespmem:s3+$0x2000] =	vst v63  }
0xeb: {  	[tilespmem:s13], [sflag:$0x1] =	stream.strided.gather [hbm4b:s31+s11], $0x4000, s12, s11, $0x38;
	[tilespmem:$0x13000] =	vst v63  }
.LBB2_6:
0xec: {  	_ =	swait.ge [sflag:s14], $0x4000  }
0xed: {  	p0 =	seq.s32 s0, $0x0;
	[sflag:s14] =	ssyncset.done $0x0  }
0xee: {  	s2 =	sadd.s32 s0, s8;
	s3 =	simm.s32 @!p0 $0x6;
	[sflag:s14] =	ssyncadd.s32 $0xFFFFC000  }
0xef: {  	[hbm4b:s2+s11] =	stream.strided.scatter [tilespmem:s13], [sflag:$0x5], $0x4000, s12, s11, $0x38;
	[tilespmem:$0x13000] =	vst v63  }
0xf0: {  	_ =	swait.ge @!p0 [sflag:s3], $0x4000  }
0xf1: {  	s1 =	sadd.s32 s0, s7;
	[sflag:s3] =	ssyncset.done @!p0 $0x0  }
0xf2: {  	s26 =	sadd.s32 $0x40, s1;
	[sflag:s3] =	ssyncadd.s32 @!p0 $0xFFFFC000  }
0xf3: {  	[tilespmem:s15], [sflag:$0x2] =	stream.strided.gather [hbm4b:s26+s11], $0x4000, s12, s11, $0x38;
	[tilespmem:$0x13000] =	vst v63  }
0xf4: {  	_ =	swait.ge [sflag:s16], $0x4000  }
0xf5: {  	[sflag:s16] =	ssyncset.done $0x0  }
0xf6: {  	s28 =	sadd.s32 $0x40, s2;
	s3 =	simm.s32 @!p0 $0x7;
	[sflag:s16] =	ssyncadd.s32 $0xFFFFC000  }
0xf7: {  	[hbm4b:s28+s11] =	stream.strided.scatter [tilespmem:s15], [sflag:$0x6], $0x4000, s12, s11, $0x38;
	[tilespmem:$0x13000] =	vst v63  }
0xf8: {  	_ =	swait.ge @!p0 [sflag:s3], $0x4000  }
0xf9: {  	[sflag:s3] =	ssyncset.done @!p0 $0x0  }
0xfa: {  	s29 =	sadd.s32 $0x1000, s1;
	[sflag:s3] =	ssyncadd.s32 @!p0 $0xFFFFC000  }
0xfb: {  	[tilespmem:s17], [sflag:$0x3] =	stream.strided.gather [hbm4b:s29+s11], $0x4000, s12, s11, $0x38;
	[tilespmem:$0x13000] =	vst v63  }
0xfc: {  	_ =	swait.ge [sflag:s18], $0x4000  }
0xfd: {  	[sflag:s18] =	ssyncset.done $0x0  }
0xfe: {  	s30 =	sadd.s32 $0x1000, s2;
	s3 =	simm.s32 @!p0 $0x8;
	[sflag:s18] =	ssyncadd.s32 $0xFFFFC000  }
0xff: {  	[hbm4b:s30+s11] =	stream.strided.scatter [tilespmem:s17], [sflag:$0x7], $0x4000, s12, s11, $0x38;
	[tilespmem:$0x13000] =	vst v63  }
0x100: {  	_ =	swait.ge @!p0 [sflag:s3], $0x4000  }
0x101: {  	[sflag:s3] =	ssyncset.done @!p0 $0x0  }
0x102: {  	s31 =	sadd.s32 $0x1040, s1;
	[sflag:s3] =	ssyncadd.s32 @!p0 $0xFFFFC000  }
0x103: {  	[tilespmem:s19], [sflag:$0x4] =	stream.strided.gather [hbm4b:s31+s11], $0x4000, s12, s11, $0x38;
	[tilespmem:$0x13000] =	vst v63  }
0x104: {  	_ =	swait.ge [sflag:s20], $0x4000  }
0x105: {  	p0 =	seq.s32 s0, $0x3E000;
	[sflag:s20] =	ssyncset.done $0x0  }
.Ltmp4:
0x106: {  	s2 =	sadd.s32 $0x1040, s2;
	[sflag:s20] =	ssyncadd.s32 $0xFFFFC000;
	(pc) =	sbr.rel @p0 .LBB2_8-.Ltmp4, $4  }
0x107: {  	[hbm4b:s2+s11] =	stream.strided.scatter [tilespmem:s19], [sflag:$0x8], $0x4000, s12, s11, $0x38;
	[tilespmem:$0x13000] =	vst v63  }
0x108: {  	_ =	swait.ge [sflag:s21], $0x4000  }
0x109: {  	[sflag:s21] =	ssyncset.done $0x0  }
0x10a: {  	[sflag:s21] =	ssyncadd.s32 $0xFFFFC000  }
.Ltmp5:
0x10b: {  	(pc) =	sbr.rel .LBB2_6-.Ltmp5, $3  }
0x10c: {  	_ =	sdelay $0x1  }
0x10d: {  	s1 =	sadd.s32 $0x2000, s1;
	s0 =	sadd.s32 $0x2000, s0  }
0x10e: {  	[tilespmem:s13], [sflag:$0x1] =	stream.strided.gather [hbm4b:s1+s11], $0x4000, s12, s11, $0x38;
	[tilespmem:$0x13000] =	vst v63  }
.LBB2_9:
0x10f: {  	_ =	sfence.sel $0x180000  }
0x110: {  	[bflag:$0x0] =	sbarrier.arrive $0xFFFF  }
0x111: {  	_ =	strace $0x90000047  }
0x112: {  	s0 =	stileid.u32;
	[bflag:$0x2] =	sbarrier.arrive $0xFFFF  }
0x113: {  	p0 =	sne.s32 s0, $0x0;
	s0 =	rddreg [dreg:$0x4]  }
0x114: {  	s0 =	sadd.s32 @!p0 $0x100000, s0  }
0x115: {  	[sflag:s0] =	ssyncadd.tile.s32 @!p0 $0x1;
	_ =	shalt  }
.Lfunc_end2:
_tile_overlayer_lowered:
.L_overlay_start_2:
0x116: {  	(tag) =	ssettag $0x2  }
0x117: {  	s0 =	rddreg [dreg:$0x0];
	s2 =	stileid.u32  }
0x118: {  	s1 =	rddreg [dreg:$0x1];
	p0 =	sne.s32 s2, $0x0  }
0x119: {  	s3 =	rddreg [dreg:$0x2];
	[bflag:$0x3] =	sbarrier.arrive $0xFFFF;
	s2 =	simm.s32 @!p0 $0x1C09  }
0x11a: {  	[timem:s3], [sflag:s2] =	dma.local @!p0 [hbm:s0], s1  }
0x11b: {  	s0 =	simm.s32 @!p0 $0x9  }
0x11c: {  	_ =	swait.ge @!p0 [sflag:s0], s1  }
0x11d: {  	s1 =	ssub.s32 @!p0 $0x0, s1;
	[sflag:s0] =	ssyncset.done @!p0 $0x0  }
0x11e: {  	[sflag:s0] =	ssyncadd.s32 @!p0 s1  }
0x11f: {  	[bflag:$0x3] =	sbarrier.arrive $0xFFFF  }
0x120: {  	_ =	shalt  }

</sc_bundles>
